<compile_context>
chip_gen: v7x
topology: tpu7x:2x2x1
jax: 0.10.2.dev20260603
libtpu: 0.0.44.dev20260713+nightly
codegen_flags: <defaults>
</compile_context>

<pallas_src>
import functools

import jax
import jax.numpy as jnp
from jax import lax
from jax.experimental import pallas as pl
from jax.experimental.pallas import tpu as pltpu
from jax.experimental.pallas import tpu_sc as plsc

N = 4096
DX = 512
DZ = 256
BLK = 1024
K = 5
EPSF = 1e-07
FLOOR = 1e-24

_NC = 2
_NS = 16
_NW = _NC * _NS
_B = N * (K - 1)
_BPW = _B // _NW
_CHUNK = 128


def _knn_body(xblk_ref, x_ref, lid_ref, idx_ref, b2_scr):
    i = pl.program_id(0)

    @pl.when(i == 0)
    def _():
        xf = x_ref[...]
        xx = xf * xf
        ones = jnp.ones((1, DX), jnp.float32)
        b2_scr[...] = lax.dot_general(
            ones, xx, (((1,), (1,)), ((), ())),
            preferred_element_type=jnp.float32,
            precision=lax.Precision.HIGHEST)

    xb = xblk_ref[...]
    a2 = jnp.sum(xb * xb, axis=1, keepdims=True)
    dotm2 = lax.dot_general(
        -2.0 * xb, x_ref[...], (((1,), (1,)), ((), ())),
        preferred_element_type=jnp.float32)
    work = b2_scr[...] + dotm2

    inf = jnp.full((BLK, 128), jnp.inf, jnp.float32)
    m1, m2, m3 = inf, inf, inf
    zc = jnp.zeros((BLK, 128), jnp.int32)
    c1, c2, c3 = zc, zc, zc
    for t in range(N // 128):
        x = work[:, t * 128:(t + 1) * 128]
        ct = jnp.full((BLK, 128), t, jnp.int32)
        t1 = x < m1
        t2 = x < m2
        t3 = x < m3
        m3 = jnp.where(t3, jnp.where(t2, m2, x), m3)
        c3 = jnp.where(t3, jnp.where(t2, c2, ct), c3)
        m2 = jnp.where(t2, jnp.where(t1, m1, x), m2)
        c2 = jnp.where(t2, jnp.where(t1, c1, ct), c2)
        m1 = jnp.where(t1, x, m1)
        c1 = jnp.where(t1, ct, c1)

    lane = lax.broadcasted_iota(jnp.int32, (BLK, 128), 1)
    candv = jnp.concatenate([m1, m2, m3], axis=1)
    candi = jnp.concatenate(
        [c1 * 128 + lane, c2 * 128 + lane, c3 * 128 + lane], axis=1)
    vals, idxs = [], []
    for t in range(K):
        m = jnp.min(candv, axis=1, keepdims=True)
        j = jnp.min(jnp.where(candv == m, candi, N),
                    axis=1, keepdims=True)
        vals.append(m)
        idxs.append(j)
        if t < K - 1:
            candv = jnp.where(candi == j, jnp.inf, candv)

    logs = []
    for t in range(1, K):
        v = jnp.sqrt(jnp.maximum(vals[t] + a2, FLOOR)) + EPSF
        logs.append(jnp.log10(v))
    l_last = logs[-1]
    lid_ref[...] = (1.0 / K) * (
        ((logs[0] - l_last) + (logs[1] - l_last)) + (logs[2] - l_last))
    idx_ref[...] = jnp.concatenate(idxs[1:], axis=1)


_knn_call = pl.pallas_call(
    _knn_body,
    grid=(N // BLK,),
    in_specs=[
        pl.BlockSpec((BLK, DX), lambda i: (i, 0)),
        pl.BlockSpec((N, DX), lambda i: (0, 0)),
    ],
    out_specs=[
        pl.BlockSpec((BLK, 1), lambda i: (i, 0)),
        pl.BlockSpec((BLK, 4), lambda i: (i, 0)),
    ],
    out_shape=[
        jax.ShapeDtypeStruct((N, 1), jnp.float32),
        jax.ShapeDtypeStruct((N, 4), jnp.int32),
    ],
    scratch_shapes=[pltpu.VMEM((1, N), jnp.float32)],
)


@functools.cache
def _sc_gather_call():
    @functools.partial(
        pl.kernel,
        mesh=plsc.VectorSubcoreMesh(core_axis_name="c", subcore_axis_name="s"),
        out_type=jax.ShapeDtypeStruct((_B, DZ), jnp.float32),
        scratch_types=[
            pltpu.VMEM((_BPW,), jnp.int32),
            pltpu.VMEM((_CHUNK, DZ), jnp.float32),
            pltpu.VMEM((_CHUNK, DZ), jnp.float32),
            pltpu.SemaphoreType.DMA,
            pltpu.SemaphoreType.DMA,
            pltpu.SemaphoreType.DMA,
            pltpu.SemaphoreType.DMA,
        ],
    )
    def _sc_gather(idx_hbm, z_hbm, out_hbm, idx_all, rows_a, rows_b,
                   gsem_a, gsem_b, osem_a, osem_b):
        wid = lax.axis_index("s") * _NC + lax.axis_index("c")
        base = wid * _BPW
        nch = _BPW // _CHUNK
        rows_v = [rows_a, rows_b]
        gsem = [gsem_a, gsem_b]
        osem = [osem_a, osem_b]
        pltpu.sync_copy(idx_hbm.at[pl.ds(base, _BPW)], idx_all)
        gcp = [pltpu.async_copy(
            z_hbm.at[idx_all.at[pl.ds(0, _CHUNK)]], rows_a, gsem_a), None]
        ocp = [None, None]
        for c in range(nch):
            cur = c % 2
            nxt = (c + 1) % 2
            if c + 1 < nch:
                if ocp[nxt] is not None:
                    ocp[nxt].wait()
                    ocp[nxt] = None
                gcp[nxt] = pltpu.async_copy(
                    z_hbm.at[idx_all.at[pl.ds((c + 1) * _CHUNK, _CHUNK)]],
                    rows_v[nxt], gsem[nxt])
            gcp[cur].wait()
            off = base + c * _CHUNK
            ocp[cur] = pltpu.async_copy(
                rows_v[cur], out_hbm.at[pl.ds(off, _CHUNK)], osem[cur])
        for c in range(2):
            if ocp[c] is not None:
                ocp[c].wait()

    return _sc_gather


def _lidz_body(z_ref, g_ref, lidx_ref, out_ref):
    z = z_ref[...]
    z2i = jnp.sum(z * z, axis=1, keepdims=True)
    logs = []
    for t in range(K - 1):
        gt = g_ref[t * N:(t + 1) * N, :]
        dt = jnp.sum(z * gt, axis=1, keepdims=True)
        z2t = jnp.sum(gt * gt, axis=1, keepdims=True)
        e = jnp.sqrt(jnp.maximum(z2i + z2t - 2.0 * dt, FLOOR)) + EPSF
        logs.append(jnp.log10(e))
    l_last = logs[-1]
    lidz = (1.0 / K) * (
        ((logs[0] - l_last) + (logs[1] - l_last)) + (logs[2] - l_last))
    d = lidx_ref[...] - lidz
    out_ref[...] = jnp.sum(d * d, axis=0, keepdims=True) * (1.0 / N)


_lidz_call = pl.pallas_call(
    _lidz_body,
    out_shape=jax.ShapeDtypeStruct((1, 1), jnp.float32),
)


def kernel(X, Z):
    lid_x, idx4 = _knn_call(X, X)
    ind_t = idx4.T.reshape(-1)
    g = _sc_gather_call()(ind_t, Z)
    return lid_x[0, 0] + g[0, 0]

# --- scband reference (transcript-rebuilt; emitter-appended) ---
"""Pipeline reference for scband-lnsa-loss-47193100649164 (READ-ONLY COPY).

The authoritative reference and input builder live on the scoring server;
editing this copy changes nothing except your own understanding.
"""

import jax, jax.numpy as jnp
import numpy as np

K = 5
EPS = 1e-07


def _cdist(A, B):
    a2 = jnp.sum(A * A, axis=1, keepdims=True)
    b2 = jnp.sum(B * B, axis=1, keepdims=True)
    d2 = a2 + b2.T - 2.0 * (A @ B.T)
    d2 = jnp.maximum(d2, 1e-24)  # numerical floor; avoids sqrt(0) (diagonal) issues
    return jnp.sqrt(d2)


def setup_inputs(seed: int = 0) -> dict:
    key = jax.random.key(seed)
    k1, k2 = jax.random.split(key)
    X = jax.random.normal(k1, (4096, 512), dtype=jnp.float32)
    Z = jax.random.normal(k2, (4096, 256), dtype=jnp.float32)
    return {"X": X, "Z": Z}


def reference(X, Z):
    mean_x = jnp.mean(X, axis=0)
    mean_z = jnp.mean(Z, axis=0)
    normA1 = jnp.quantile(jnp.sqrt(jnp.sum((X - mean_x) ** 2, axis=1)), 0.98)
    normA2 = jnp.quantile(jnp.sqrt(jnp.sum((Z - mean_z) ** 2, axis=1)), 0.98)

    # compute_neighbor_mask(X, normA1)
    x_dist = (_cdist(X, X) + EPS) / normA1
    k = K if X.shape[0] >= K else X.shape[0]
    neg_vals, indices = jax.lax.top_k(-x_dist, k)  # smallest-k
    values = -neg_vals
    values = values[:, 1:]
    indices = indices[:, 1:]
    norm_values = values[:, -1:]
    lid_X = (1.0 / K) * jnp.sum(jnp.log10(values) - jnp.log10(norm_values), axis=1) + EPS

    z_dist = (_cdist(Z, Z) + EPS) / normA2
    extracted = jnp.take_along_axis(z_dist, indices, axis=1)
    norm_z = extracted[:, -1:]
    lid_Z = (1.0 / K) * jnp.sum(jnp.log10(extracted) - jnp.log10(norm_z), axis=1) + EPS

    lid_nsa = jnp.sum(jnp.square(lid_X - lid_Z)) / X.shape[0]
    return lid_nsa

if __name__ == "__main__":
    import jax
    _d = setup_inputs()
    print(jax.jit(kernel)(*tuple(_d.values())))

</pallas_src>

<mosaic_0001>
#map = affine_map<(d0, d1) -> (0)>
#map1 = affine_map<(d0, d1) -> (0, 0)>
module attributes {stable_mosaic.version = 14 : i64} {
  func.func @_sc_gather(%arg0: i32, %arg1: i32, %arg2: memref<16384xi32, #tpu.memory_space<hbm>>, %arg3: memref<4096x256xf32, #tpu.memory_space<hbm>>, %arg4: memref<16384x256xf32, #tpu.memory_space<hbm>>, %arg5: memref<512xi32, #tpu.memory_space<vmem>>, %arg6: memref<128x256xf32, #tpu.memory_space<vmem>>, %arg7: memref<128x256xf32, #tpu.memory_space<vmem>>, %arg8: memref<!tpu.dma_semaphore, #tpu.memory_space<semaphore_mem>>, %arg9: memref<!tpu.dma_semaphore, #tpu.memory_space<semaphore_mem>>, %arg10: memref<!tpu.dma_semaphore, #tpu.memory_space<semaphore_mem>>, %arg11: memref<!tpu.dma_semaphore, #tpu.memory_space<semaphore_mem>>) attributes {dimension_semantics = [#tpu.dimension_semantics<core_parallel>, #tpu.dimension_semantics<subcore_parallel>], iteration_bounds = array<i64: 2, 16>, scalar_prefetch = 0 : i64, scratch_operands = 7 : i64, tpu.core_type = #tpu.core_type<sc_vector_subcore>, window_params = [{transform_indices = #map}, {transform_indices = #map1}, {transform_indices = #map1}]} {
    %mul3A = arith.constant 2 : i32
    %mul3A_0 = arith.muli %arg1, %mul3A : i32
    %add3A = arith.addi %mul3A_0, %arg0 : i32
    %mul3A_1 = arith.constant 512 : i32
    %mul3A_2 = arith.muli %add3A, %mul3A_1 : i32
    "tpu.region"() ({
      %run_scoped3A = tpu.sem_alloc : memref<!tpu.dma_semaphore, #tpu.memory_space<semaphore_mem>>
      %dma_start3A_81 = tpu.memref_slice %arg2[%mul3A_2] : memref<16384xi32, #tpu.memory_space<hbm>> -> memref<512xi32, #tpu.memory_space<hbm>>
      %dma_start3A_82 = tpu.memref_slice %arg2[%mul3A_2] : memref<16384xi32, #tpu.memory_space<hbm>> -> memref<512xi32, #tpu.memory_space<hbm>>
      tpu.enqueue_dma source(%dma_start3A_82 : memref<512xi32, #tpu.memory_space<hbm>>) target(%arg5 : memref<512xi32, #tpu.memory_space<vmem>>) target_semaphore(%run_scoped3A : memref<!tpu.dma_semaphore, #tpu.memory_space<semaphore_mem>>)
      %dma_wait3A_83 = tpu.memref_slice %arg2[%mul3A_2] : memref<16384xi32, #tpu.memory_space<hbm>> -> memref<512xi32, #tpu.memory_space<hbm>>
      %dma_wait3A_84 = tpu.memref_slice %arg2[%mul3A_2] : memref<16384xi32, #tpu.memory_space<hbm>> -> memref<512xi32, #tpu.memory_space<hbm>>
      tpu.wait_dma2 semaphore(%run_scoped3A : memref<!tpu.dma_semaphore, #tpu.memory_space<semaphore_mem>>) src(%dma_wait3A_84 : memref<512xi32, #tpu.memory_space<hbm>>) dst(%arg5 : memref<512xi32, #tpu.memory_space<vmem>>)
      tpu.yield
    }) : () -> ()
    %dma_start3A = arith.constant 0 : i32
    %dma_start3A_3 = tpu.memref_slice %arg5[%dma_start3A] : memref<512xi32, #tpu.memory_space<vmem>> -> memref<128xi32, #tpu.memory_space<vmem>>
    %dma_start3A_4 = arith.constant 0 : i32
    %dma_start3A_5 = arith.constant 0 : i32
    %dma_start3A_6 = tpu.memref_slice %arg3[%dma_start3A_4, %dma_start3A_5] : memref<4096x256xf32, #tpu.memory_space<hbm>> -> memref<4096x256xf32, #tpu.memory_space<hbm>>
    tpu.enqueue_indirect_dma source(%dma_start3A_6 : memref<4096x256xf32, #tpu.memory_space<hbm>>) target(%arg6 : memref<128x256xf32, #tpu.memory_space<vmem>>) offsets(%dma_start3A_3 : memref<128xi32, #tpu.memory_space<vmem>>) semaphore(%arg8 : memref<!tpu.dma_semaphore, #tpu.memory_space<semaphore_mem>>)
    %dma_start3A_7 = arith.constant 128 : i32
    %dma_start3A_8 = tpu.memref_slice %arg5[%dma_start3A_7] : memref<512xi32, #tpu.memory_space<vmem>> -> memref<128xi32, #tpu.memory_space<vmem>>
    %dma_start3A_9 = arith.constant 0 : i32
    %dma_start3A_10 = arith.constant 0 : i32
    %dma_start3A_11 = tpu.memref_slice %arg3[%dma_start3A_9, %dma_start3A_10] : memref<4096x256xf32, #tpu.memory_space<hbm>> -> memref<4096x256xf32, #tpu.memory_space<hbm>>
    tpu.enqueue_indirect_dma source(%dma_start3A_11 : memref<4096x256xf32, #tpu.memory_space<hbm>>) target(%arg7 : memref<128x256xf32, #tpu.memory_space<vmem>>) offsets(%dma_start3A_8 : memref<128xi32, #tpu.memory_space<vmem>>) semaphore(%arg9 : memref<!tpu.dma_semaphore, #tpu.memory_space<semaphore_mem>>)
    %dma_wait3A = arith.constant 0 : i32
    %dma_wait3A_12 = tpu.memref_slice %arg5[%dma_wait3A] : memref<512xi32, #tpu.memory_space<vmem>> -> memref<128xi32, #tpu.memory_space<vmem>>
    %dma_wait3A_13 = arith.constant 0 : i32
    %dma_wait3A_14 = arith.constant 0 : i32
    %dma_wait3A_15 = tpu.memref_slice %arg3[%dma_wait3A_13, %dma_wait3A_14] : memref<4096x256xf32, #tpu.memory_space<hbm>> -> memref<4096x256xf32, #tpu.memory_space<hbm>>
    tpu.wait_indirect_dma semaphore(%arg8 : memref<!tpu.dma_semaphore, #tpu.memory_space<semaphore_mem>>) src(%dma_wait3A_15 : memref<4096x256xf32, #tpu.memory_space<hbm>>) dst(%arg6 : memref<128x256xf32, #tpu.memory_space<vmem>>)
    %add3A_16 = arith.constant 0 : i32
    %add3A_17 = arith.addi %mul3A_2, %add3A_16 : i32
    %dma_start3A_18 = arith.constant 0 : i32
    %dma_start3A_19 = tpu.memref_slice %arg4[%add3A_17, %dma_start3A_18] : memref<16384x256xf32, #tpu.memory_space<hbm>> -> memref<128x256xf32, #tpu.memory_space<hbm>>
    %dma_start3A_20 = arith.constant 0 : i32
    %dma_start3A_21 = tpu.memref_slice %arg4[%add3A_17, %dma_start3A_20] : memref<16384x256xf32, #tpu.memory_space<hbm>> -> memref<128x256xf32, #tpu.memory_space<hbm>>
    tpu.enqueue_dma source(%arg6 : memref<128x256xf32, #tpu.memory_space<vmem>>) target(%dma_start3A_21 : memref<128x256xf32, #tpu.memory_space<hbm>>) target_semaphore(%arg10 : memref<!tpu.dma_semaphore, #tpu.memory_space<semaphore_mem>>)
    %dma_wait3A_22 = arith.constant 0 : i32
    %dma_wait3A_23 = tpu.memref_slice %arg4[%add3A_17, %dma_wait3A_22] : memref<16384x256xf32, #tpu.memory_space<hbm>> -> memref<128x256xf32, #tpu.memory_space<hbm>>
    %dma_wait3A_24 = arith.constant 0 : i32
    %dma_wait3A_25 = tpu.memref_slice %arg4[%add3A_17, %dma_wait3A_24] : memref<16384x256xf32, #tpu.memory_space<hbm>> -> memref<128x256xf32, #tpu.memory_space<hbm>>
    tpu.wait_dma2 semaphore(%arg10 : memref<!tpu.dma_semaphore, #tpu.memory_space<semaphore_mem>>) src(%arg6 : memref<128x256xf32, #tpu.memory_space<vmem>>) dst(%dma_wait3A_25 : memref<128x256xf32, #tpu.memory_space<hbm>>)
    %dma_start3A_26 = arith.constant 256 : i32
    %dma_start3A_27 = tpu.memref_slice %arg5[%dma_start3A_26] : memref<512xi32, #tpu.memory_space<vmem>> -> memref<128xi32, #tpu.memory_space<vmem>>
    %dma_start3A_28 = arith.constant 0 : i32
    %dma_start3A_29 = arith.constant 0 : i32
    %dma_start3A_30 = tpu.memref_slice %arg3[%dma_start3A_28, %dma_start3A_29] : memref<4096x256xf32, #tpu.memory_space<hbm>> -> memref<4096x256xf32, #tpu.memory_space<hbm>>
    tpu.enqueue_indirect_dma source(%dma_start3A_30 : memref<4096x256xf32, #tpu.memory_space<hbm>>) target(%arg6 : memref<128x256xf32, #tpu.memory_space<vmem>>) offsets(%dma_start3A_27 : memref<128xi32, #tpu.memory_space<vmem>>) semaphore(%arg8 : memref<!tpu.dma_semaphore, #tpu.memory_space<semaphore_mem>>)
    %dma_wait3A_31 = arith.constant 128 : i32
    %dma_wait3A_32 = tpu.memref_slice %arg5[%dma_wait3A_31] : memref<512xi32, #tpu.memory_space<vmem>> -> memref<128xi32, #tpu.memory_space<vmem>>
    %dma_wait3A_33 = arith.constant 0 : i32
    %dma_wait3A_34 = arith.constant 0 : i32
    %dma_wait3A_35 = tpu.memref_slice %arg3[%dma_wait3A_33, %dma_wait3A_34] : memref<4096x256xf32, #tpu.memory_space<hbm>> -> memref<4096x256xf32, #tpu.memory_space<hbm>>
    tpu.wait_indirect_dma semaphore(%arg9 : memref<!tpu.dma_semaphore, #tpu.memory_space<semaphore_mem>>) src(%dma_wait3A_35 : memref<4096x256xf32, #tpu.memory_space<hbm>>) dst(%arg7 : memref<128x256xf32, #tpu.memory_space<vmem>>)
    %add3A_36 = arith.constant 128 : i32
    %add3A_37 = arith.addi %mul3A_2, %add3A_36 : i32
    %dma_start3A_38 = arith.constant 0 : i32
    %dma_start3A_39 = tpu.memref_slice %arg4[%add3A_37, %dma_start3A_38] : memref<16384x256xf32, #tpu.memory_space<hbm>> -> memref<128x256xf32, #tpu.memory_space<hbm>>
    %dma_start3A_40 = arith.constant 0 : i32
    %dma_start3A_41 = tpu.memref_slice %arg4[%add3A_37, %dma_start3A_40] : memref<16384x256xf32, #tpu.memory_space<hbm>> -> memref<128x256xf32, #tpu.memory_space<hbm>>
    tpu.enqueue_dma source(%arg7 : memref<128x256xf32, #tpu.memory_space<vmem>>) target(%dma_start3A_41 : memref<128x256xf32, #tpu.memory_space<hbm>>) target_semaphore(%arg11 : memref<!tpu.dma_semaphore, #tpu.memory_space<semaphore_mem>>)
    %dma_wait3A_42 = arith.constant 0 : i32
    %dma_wait3A_43 = tpu.memref_slice %arg4[%add3A_37, %dma_wait3A_42] : memref<16384x256xf32, #tpu.memory_space<hbm>> -> memref<128x256xf32, #tpu.memory_space<hbm>>
    %dma_wait3A_44 = arith.constant 0 : i32
    %dma_wait3A_45 = tpu.memref_slice %arg4[%add3A_37, %dma_wait3A_44] : memref<16384x256xf32, #tpu.memory_space<hbm>> -> memref<128x256xf32, #tpu.memory_space<hbm>>
    tpu.wait_dma2 semaphore(%arg11 : memref<!tpu.dma_semaphore, #tpu.memory_space<semaphore_mem>>) src(%arg7 : memref<128x256xf32, #tpu.memory_space<vmem>>) dst(%dma_wait3A_45 : memref<128x256xf32, #tpu.memory_space<hbm>>)
    %dma_start3A_46 = arith.constant 384 : i32
    %dma_start3A_47 = tpu.memref_slice %arg5[%dma_start3A_46] : memref<512xi32, #tpu.memory_space<vmem>> -> memref<128xi32, #tpu.memory_space<vmem>>
    %dma_start3A_48 = arith.constant 0 : i32
    %dma_start3A_49 = arith.constant 0 : i32
    %dma_start3A_50 = tpu.memref_slice %arg3[%dma_start3A_48, %dma_start3A_49] : memref<4096x256xf32, #tpu.memory_space<hbm>> -> memref<4096x256xf32, #tpu.memory_space<hbm>>
    tpu.enqueue_indirect_dma source(%dma_start3A_50 : memref<4096x256xf32, #tpu.memory_space<hbm>>) target(%arg7 : memref<128x256xf32, #tpu.memory_space<vmem>>) offsets(%dma_start3A_47 : memref<128xi32, #tpu.memory_space<vmem>>) semaphore(%arg9 : memref<!tpu.dma_semaphore, #tpu.memory_space<semaphore_mem>>)
    %dma_wait3A_51 = arith.constant 256 : i32
    %dma_wait3A_52 = tpu.memref_slice %arg5[%dma_wait3A_51] : memref<512xi32, #tpu.memory_space<vmem>> -> memref<128xi32, #tpu.memory_space<vmem>>
    %dma_wait3A_53 = arith.constant 0 : i32
    %dma_wait3A_54 = arith.constant 0 : i32
    %dma_wait3A_55 = tpu.memref_slice %arg3[%dma_wait3A_53, %dma_wait3A_54] : memref<4096x256xf32, #tpu.memory_space<hbm>> -> memref<4096x256xf32, #tpu.memory_space<hbm>>
    tpu.wait_indirect_dma semaphore(%arg8 : memref<!tpu.dma_semaphore, #tpu.memory_space<semaphore_mem>>) src(%dma_wait3A_55 : memref<4096x256xf32, #tpu.memory_space<hbm>>) dst(%arg6 : memref<128x256xf32, #tpu.memory_space<vmem>>)
    %add3A_56 = arith.constant 256 : i32
    %add3A_57 = arith.addi %mul3A_2, %add3A_56 : i32
    %dma_start3A_58 = arith.constant 0 : i32
    %dma_start3A_59 = tpu.memref_slice %arg4[%add3A_57, %dma_start3A_58] : memref<16384x256xf32, #tpu.memory_space<hbm>> -> memref<128x256xf32, #tpu.memory_space<hbm>>
    %dma_start3A_60 = arith.constant 0 : i32
    %dma_start3A_61 = tpu.memref_slice %arg4[%add3A_57, %dma_start3A_60] : memref<16384x256xf32, #tpu.memory_space<hbm>> -> memref<128x256xf32, #tpu.memory_space<hbm>>
    tpu.enqueue_dma source(%arg6 : memref<128x256xf32, #tpu.memory_space<vmem>>) target(%dma_start3A_61 : memref<128x256xf32, #tpu.memory_space<hbm>>) target_semaphore(%arg10 : memref<!tpu.dma_semaphore, #tpu.memory_space<semaphore_mem>>)
    %dma_wait3A_62 = arith.constant 384 : i32
    %dma_wait3A_63 = tpu.memref_slice %arg5[%dma_wait3A_62] : memref<512xi32, #tpu.memory_space<vmem>> -> memref<128xi32, #tpu.memory_space<vmem>>
    %dma_wait3A_64 = arith.constant 0 : i32
    %dma_wait3A_65 = arith.constant 0 : i32
    %dma_wait3A_66 = tpu.memref_slice %arg3[%dma_wait3A_64, %dma_wait3A_65] : memref<4096x256xf32, #tpu.memory_space<hbm>> -> memref<4096x256xf32, #tpu.memory_space<hbm>>
    tpu.wait_indirect_dma semaphore(%arg9 : memref<!tpu.dma_semaphore, #tpu.memory_space<semaphore_mem>>) src(%dma_wait3A_66 : memref<4096x256xf32, #tpu.memory_space<hbm>>) dst(%arg7 : memref<128x256xf32, #tpu.memory_space<vmem>>)
    %add3A_67 = arith.constant 384 : i32
    %add3A_68 = arith.addi %mul3A_2, %add3A_67 : i32
    %dma_start3A_69 = arith.constant 0 : i32
    %dma_start3A_70 = tpu.memref_slice %arg4[%add3A_68, %dma_start3A_69] : memref<16384x256xf32, #tpu.memory_space<hbm>> -> memref<128x256xf32, #tpu.memory_space<hbm>>
    %dma_start3A_71 = arith.constant 0 : i32
    %dma_start3A_72 = tpu.memref_slice %arg4[%add3A_68, %dma_start3A_71] : memref<16384x256xf32, #tpu.memory_space<hbm>> -> memref<128x256xf32, #tpu.memory_space<hbm>>
    tpu.enqueue_dma source(%arg7 : memref<128x256xf32, #tpu.memory_space<vmem>>) target(%dma_start3A_72 : memref<128x256xf32, #tpu.memory_space<hbm>>) target_semaphore(%arg11 : memref<!tpu.dma_semaphore, #tpu.memory_space<semaphore_mem>>)
    %dma_wait3A_73 = arith.constant 0 : i32
    %dma_wait3A_74 = tpu.memref_slice %arg4[%add3A_57, %dma_wait3A_73] : memref<16384x256xf32, #tpu.memory_space<hbm>> -> memref<128x256xf32, #tpu.memory_space<hbm>>
    %dma_wait3A_75 = arith.constant 0 : i32
    %dma_wait3A_76 = tpu.memref_slice %arg4[%add3A_57, %dma_wait3A_75] : memref<16384x256xf32, #tpu.memory_space<hbm>> -> memref<128x256xf32, #tpu.memory_space<hbm>>
    tpu.wait_dma2 semaphore(%arg10 : memref<!tpu.dma_semaphore, #tpu.memory_space<semaphore_mem>>) src(%arg6 : memref<128x256xf32, #tpu.memory_space<vmem>>) dst(%dma_wait3A_76 : memref<128x256xf32, #tpu.memory_space<hbm>>)
    %dma_wait3A_77 = arith.constant 0 : i32
    %dma_wait3A_78 = tpu.memref_slice %arg4[%add3A_68, %dma_wait3A_77] : memref<16384x256xf32, #tpu.memory_space<hbm>> -> memref<128x256xf32, #tpu.memory_space<hbm>>
    %dma_wait3A_79 = arith.constant 0 : i32
    %dma_wait3A_80 = tpu.memref_slice %arg4[%add3A_68, %dma_wait3A_79] : memref<16384x256xf32, #tpu.memory_space<hbm>> -> memref<128x256xf32, #tpu.memory_space<hbm>>
    tpu.wait_dma2 semaphore(%arg11 : memref<!tpu.dma_semaphore, #tpu.memory_space<semaphore_mem>>) src(%arg7 : memref<128x256xf32, #tpu.memory_space<vmem>>) dst(%dma_wait3A_80 : memref<128x256xf32, #tpu.memory_space<hbm>>)
    return
  }
}

module attributes {stable_mosaic.version = 14 : i64} {
  func.func @_knn_body(%arg0: i32, %arg1: memref<1024x512xf32, #tpu.memory_space<vmem>>, %arg2: memref<4096x512xf32, #tpu.memory_space<vmem>>, %arg3: memref<1024x1xf32, #tpu.memory_space<vmem>>, %arg4: memref<1024x4xi32, #tpu.memory_space<vmem>>, %arg5: memref<1x4096xf32, #tpu.memory_space<vmem>>) attributes {dimension_semantics = [#tpu.dimension_semantics<arbitrary>], iteration_bounds = array<i64: 4>, scalar_prefetch = 0 : i64, scratch_operands = 1 : i64, tpu.core_type = #tpu.core_type<tc>, window_params = [{transform_indices = @transform_0, window_bounds = array<i64: 1024, 512>}, {pipeline_mode = #tpu.pipeline_mode<synchronous>, transform_indices = @transform_1, window_bounds = array<i64: 4096, 512>}, {transform_indices = @transform_2, window_bounds = array<i64: 1024, 1>}, {transform_indices = @transform_3, window_bounds = array<i64: 1024, 4>}]} {
    %eq3A = arith.constant 0 : i32
    %eq3A_0 = arith.cmpi eq, %arg0, %eq3A : i32
    %convert_element_type3A = arith.extui %eq3A_0 : i1 to i32
    %cond3A = arith.constant 0 : i32
    %cond3A_1 = arith.cmpi ne, %convert_element_type3A, %cond3A : i32
    scf.if %cond3A_1 {
      %get3A_673 = arith.constant 0 : index
      %get3A_674 = arith.constant 0 : index
      %get3A_675 = vector.load %arg2[%get3A_673, %get3A_674] : memref<4096x512xf32, #tpu.memory_space<vmem>>, vector<4096x512xf32>
      %mul3A_676 = arith.mulf %get3A_675, %get3A_675 : vector<4096x512xf32>
      %broadcast_in_dim3A_677 = arith.constant 1.000000e+00 : f32
      %broadcast_in_dim3A_678 = vector.broadcast %broadcast_in_dim3A_677 : f32 to vector<1x512xf32>
      %dot_general3A_679 = arith.constant dense<0.000000e+00> : vector<1x4096xf32>
      %dot_general3A_680 = tpu.matmul %broadcast_in_dim3A_678, %mul3A_676, %dot_general3A_679 {dimension_numbers = #tpu.dot_dimension_numbers<[1], [1], [0], [0], [0, 0, 1, 0], [], []>, precision = #tpu.contract_precision<fp32>, transpose_lhs_hint = false} : vector<1x512xf32>, vector<4096x512xf32>, vector<1x4096xf32> -> vector<1x4096xf32>
      %swap3A_681 = arith.constant 0 : index
      %swap3A_682 = arith.constant 0 : index
      %swap3A_683 = vector.load %arg5[%swap3A_681, %swap3A_682] : memref<1x4096xf32, #tpu.memory_space<vmem>>, vector<1x4096xf32>
      tpu.vector_store %arg5[%swap3A_681, %swap3A_682], %dot_general3A_680 {strides = array<i32>} : memref<1x4096xf32, #tpu.memory_space<vmem>>, vector<1x4096xf32>,
    } else {
    }
    %get3A = arith.constant 0 : index
    %get3A_2 = arith.constant 0 : index
    %get3A_3 = vector.load %arg1[%get3A, %get3A_2] : memref<1024x512xf32, #tpu.memory_space<vmem>>, vector<1024x512xf32>
    %mul3A = arith.mulf %get3A_3, %get3A_3 : vector<1024x512xf32>
    %reduce_sum3A = arith.constant dense<0.000000e+00> : vector<1024xf32>
    %reduce_sum3A_4 = vector.multi_reduction <add>, %mul3A, %reduce_sum3A [1] : vector<1024x512xf32> to vector<1024xf32>
    %broadcast_in_dim3A = vector.shape_cast %reduce_sum3A_4 : vector<1024xf32> to vector<1024x1xf32>
    %mul3A_5 = arith.constant -2.000000e+00 : f32
    %mul3A_6 = vector.broadcast %mul3A_5 : f32 to vector<1024x512xf32>
    %mul3A_7 = arith.mulf %mul3A_6, %get3A_3 : vector<1024x512xf32>
    %get3A_8 = arith.constant 0 : index
    %get3A_9 = arith.constant 0 : index
    %get3A_10 = vector.load %arg2[%get3A_8, %get3A_9] : memref<4096x512xf32, #tpu.memory_space<vmem>>, vector<4096x512xf32>
    %dot_general3A = arith.constant dense<0.000000e+00> : vector<1024x4096xf32>
    %dot_general3A_11 = tpu.matmul %mul3A_7, %get3A_10, %dot_general3A {dimension_numbers = #tpu.dot_dimension_numbers<[1], [1], [0], [0], [0, 0, 1, 0], [], []>, transpose_lhs_hint = false} : vector<1024x512xf32>, vector<4096x512xf32>, vector<1024x4096xf32> -> vector<1024x4096xf32>
    %get3A_12 = arith.constant 0 : index
    %get3A_13 = arith.constant 0 : index
    %get3A_14 = vector.load %arg5[%get3A_12, %get3A_13] : memref<1x4096xf32, #tpu.memory_space<vmem>>, vector<1x4096xf32>
    %add3A = vector.broadcast %get3A_14 : vector<1x4096xf32> to vector<1024x4096xf32>
    %add3A_15 = arith.addf %add3A, %dot_general3A_11 : vector<1024x4096xf32>
    %broadcast_in_dim3A_16 = arith.constant 0x7F800000 : f32
    %broadcast_in_dim3A_17 = vector.broadcast %broadcast_in_dim3A_16 : f32 to vector<1024x128xf32>
    %broadcast_in_dim3A_18 = arith.constant 0 : i32
    %broadcast_in_dim3A_19 = vector.broadcast %broadcast_in_dim3A_18 : i32 to vector<1024x128xi32>
    %slice3A = vector.extract_strided_slice %add3A_15 {offsets = [0, 0], sizes = [1024, 128], strides = [1, 1]} : vector<1024x4096xf32> to vector<1024x128xf32>
    %broadcast_in_dim3A_20 = arith.constant 0 : i32
    %broadcast_in_dim3A_21 = vector.broadcast %broadcast_in_dim3A_20 : i32 to vector<1024x128xi32>
    %lt3A = arith.cmpf olt, %slice3A, %broadcast_in_dim3A_17 : vector<1024x128xf32>
    %lt3A_22 = arith.cmpf olt, %slice3A, %broadcast_in_dim3A_17 : vector<1024x128xf32>
    %lt3A_23 = arith.cmpf olt, %slice3A, %broadcast_in_dim3A_17 : vector<1024x128xf32>
    %select_n3A = arith.select %lt3A_22, %broadcast_in_dim3A_17, %slice3A : vector<1024x128xi1>, vector<1024x128xf32>
    %select_n3A_24 = arith.select %lt3A_23, %select_n3A, %broadcast_in_dim3A_17 : vector<1024x128xi1>, vector<1024x128xf32>
    %select_n3A_25 = arith.select %lt3A_22, %broadcast_in_dim3A_19, %broadcast_in_dim3A_21 : vector<1024x128xi1>, vector<1024x128xi32>
    %select_n3A_26 = arith.select %lt3A_23, %select_n3A_25, %broadcast_in_dim3A_19 : vector<1024x128xi1>, vector<1024x128xi32>
    %select_n3A_27 = arith.select %lt3A, %broadcast_in_dim3A_17, %slice3A : vector<1024x128xi1>, vector<1024x128xf32>
    %select_n3A_28 = arith.select %lt3A_22, %select_n3A_27, %broadcast_in_dim3A_17 : vector<1024x128xi1>, vector<1024x128xf32>
    %select_n3A_29 = arith.select %lt3A, %broadcast_in_dim3A_19, %broadcast_in_dim3A_21 : vector<1024x128xi1>, vector<1024x128xi32>
    %select_n3A_30 = arith.select %lt3A_22, %select_n3A_29, %broadcast_in_dim3A_19 : vector<1024x128xi1>, vector<1024x128xi32>
    %select_n3A_31 = arith.select %lt3A, %slice3A, %broadcast_in_dim3A_17 : vector<1024x128xi1>, vector<1024x128xf32>
    %select_n3A_32 = arith.select %lt3A, %broadcast_in_dim3A_21, %broadcast_in_dim3A_19 : vector<1024x128xi1>, vector<1024x128xi32>
    %slice3A_33 = vector.extract_strided_slice %add3A_15 {offsets = [0, 128], sizes = [1024, 128], strides = [1, 1]} : vector<1024x4096xf32> to vector<1024x128xf32>
    %broadcast_in_dim3A_34 = arith.constant 1 : i32
    %broadcast_in_dim3A_35 = vector.broadcast %broadcast_in_dim3A_34 : i32 to vector<1024x128xi32>
    %lt3A_36 = arith.cmpf olt, %slice3A_33, %select_n3A_31 : vector<1024x128xf32>
    %lt3A_37 = arith.cmpf olt, %slice3A_33, %select_n3A_28 : vector<1024x128xf32>
    %lt3A_38 = arith.cmpf olt, %slice3A_33, %select_n3A_24 : vector<1024x128xf32>
    %select_n3A_39 = arith.select %lt3A_37, %select_n3A_28, %slice3A_33 : vector<1024x128xi1>, vector<1024x128xf32>
    %select_n3A_40 = arith.select %lt3A_38, %select_n3A_39, %select_n3A_24 : vector<1024x128xi1>, vector<1024x128xf32>
    %select_n3A_41 = arith.select %lt3A_37, %select_n3A_30, %broadcast_in_dim3A_35 : vector<1024x128xi1>, vector<1024x128xi32>
    %select_n3A_42 = arith.select %lt3A_38, %select_n3A_41, %select_n3A_26 : vector<1024x128xi1>, vector<1024x128xi32>
    %select_n3A_43 = arith.select %lt3A_36, %select_n3A_31, %slice3A_33 : vector<1024x128xi1>, vector<1024x128xf32>
    %select_n3A_44 = arith.select %lt3A_37, %select_n3A_43, %select_n3A_28 : vector<1024x128xi1>, vector<1024x128xf32>
    %select_n3A_45 = arith.select %lt3A_36, %select_n3A_32, %broadcast_in_dim3A_35 : vector<1024x128xi1>, vector<1024x128xi32>
    %select_n3A_46 = arith.select %lt3A_37, %select_n3A_45, %select_n3A_30 : vector<1024x128xi1>, vector<1024x128xi32>
    %select_n3A_47 = arith.select %lt3A_36, %slice3A_33, %select_n3A_31 : vector<1024x128xi1>, vector<1024x128xf32>
    %select_n3A_48 = arith.select %lt3A_36, %broadcast_in_dim3A_35, %select_n3A_32 : vector<1024x128xi1>, vector<1024x128xi32>
    %slice3A_49 = vector.extract_strided_slice %add3A_15 {offsets = [0, 256], sizes = [1024, 128], strides = [1, 1]} : vector<1024x4096xf32> to vector<1024x128xf32>
    %broadcast_in_dim3A_50 = arith.constant 2 : i32
    %broadcast_in_dim3A_51 = vector.broadcast %broadcast_in_dim3A_50 : i32 to vector<1024x128xi32>
    %lt3A_52 = arith.cmpf olt, %slice3A_49, %select_n3A_47 : vector<1024x128xf32>
    %lt3A_53 = arith.cmpf olt, %slice3A_49, %select_n3A_44 : vector<1024x128xf32>
    %lt3A_54 = arith.cmpf olt, %slice3A_49, %select_n3A_40 : vector<1024x128xf32>
    %select_n3A_55 = arith.select %lt3A_53, %select_n3A_44, %slice3A_49 : vector<1024x128xi1>, vector<1024x128xf32>
    %select_n3A_56 = arith.select %lt3A_54, %select_n3A_55, %select_n3A_40 : vector<1024x128xi1>, vector<1024x128xf32>
    %select_n3A_57 = arith.select %lt3A_53, %select_n3A_46, %broadcast_in_dim3A_51 : vector<1024x128xi1>, vector<1024x128xi32>
    %select_n3A_58 = arith.select %lt3A_54, %select_n3A_57, %select_n3A_42 : vector<1024x128xi1>, vector<1024x128xi32>
    %select_n3A_59 = arith.select %lt3A_52, %select_n3A_47, %slice3A_49 : vector<1024x128xi1>, vector<1024x128xf32>
    %select_n3A_60 = arith.select %lt3A_53, %select_n3A_59, %select_n3A_44 : vector<1024x128xi1>, vector<1024x128xf32>
    %select_n3A_61 = arith.select %lt3A_52, %select_n3A_48, %broadcast_in_dim3A_51 : vector<1024x128xi1>, vector<1024x128xi32>
    %select_n3A_62 = arith.select %lt3A_53, %select_n3A_61, %select_n3A_46 : vector<1024x128xi1>, vector<1024x128xi32>
    %select_n3A_63 = arith.select %lt3A_52, %slice3A_49, %select_n3A_47 : vector<1024x128xi1>, vector<1024x128xf32>
    %select_n3A_64 = arith.select %lt3A_52, %broadcast_in_dim3A_51, %select_n3A_48 : vector<1024x128xi1>, vector<1024x128xi32>
    %slice3A_65 = vector.extract_strided_slice %add3A_15 {offsets = [0, 384], sizes = [1024, 128], strides = [1, 1]} : vector<1024x4096xf32> to vector<1024x128xf32>
    %broadcast_in_dim3A_66 = arith.constant 3 : i32
    %broadcast_in_dim3A_67 = vector.broadcast %broadcast_in_dim3A_66 : i32 to vector<1024x128xi32>
    %lt3A_68 = arith.cmpf olt, %slice3A_65, %select_n3A_63 : vector<1024x128xf32>
    %lt3A_69 = arith.cmpf olt, %slice3A_65, %select_n3A_60 : vector<1024x128xf32>
    %lt3A_70 = arith.cmpf olt, %slice3A_65, %select_n3A_56 : vector<1024x128xf32>
    %select_n3A_71 = arith.select %lt3A_69, %select_n3A_60, %slice3A_65 : vector<1024x128xi1>, vector<1024x128xf32>
    %select_n3A_72 = arith.select %lt3A_70, %select_n3A_71, %select_n3A_56 : vector<1024x128xi1>, vector<1024x128xf32>
    %select_n3A_73 = arith.select %lt3A_69, %select_n3A_62, %broadcast_in_dim3A_67 : vector<1024x128xi1>, vector<1024x128xi32>
    %select_n3A_74 = arith.select %lt3A_70, %select_n3A_73, %select_n3A_58 : vector<1024x128xi1>, vector<1024x128xi32>
    %select_n3A_75 = arith.select %lt3A_68, %select_n3A_63, %slice3A_65 : vector<1024x128xi1>, vector<1024x128xf32>
    %select_n3A_76 = arith.select %lt3A_69, %select_n3A_75, %select_n3A_60 : vector<1024x128xi1>, vector<1024x128xf32>
    %select_n3A_77 = arith.select %lt3A_68, %select_n3A_64, %broadcast_in_dim3A_67 : vector<1024x128xi1>, vector<1024x128xi32>
    %select_n3A_78 = arith.select %lt3A_69, %select_n3A_77, %select_n3A_62 : vector<1024x128xi1>, vector<1024x128xi32>
    %select_n3A_79 = arith.select %lt3A_68, %slice3A_65, %select_n3A_63 : vector<1024x128xi1>, vector<1024x128xf32>
    %select_n3A_80 = arith.select %lt3A_68, %broadcast_in_dim3A_67, %select_n3A_64 : vector<1024x128xi1>, vector<1024x128xi32>
    %slice3A_81 = vector.extract_strided_slice %add3A_15 {offsets = [0, 512], sizes = [1024, 128], strides = [1, 1]} : vector<1024x4096xf32> to vector<1024x128xf32>
    %broadcast_in_dim3A_82 = arith.constant 4 : i32
    %broadcast_in_dim3A_83 = vector.broadcast %broadcast_in_dim3A_82 : i32 to vector<1024x128xi32>
    %lt3A_84 = arith.cmpf olt, %slice3A_81, %select_n3A_79 : vector<1024x128xf32>
    %lt3A_85 = arith.cmpf olt, %slice3A_81, %select_n3A_76 : vector<1024x128xf32>
    %lt3A_86 = arith.cmpf olt, %slice3A_81, %select_n3A_72 : vector<1024x128xf32>
    %select_n3A_87 = arith.select %lt3A_85, %select_n3A_76, %slice3A_81 : vector<1024x128xi1>, vector<1024x128xf32>
    %select_n3A_88 = arith.select %lt3A_86, %select_n3A_87, %select_n3A_72 : vector<1024x128xi1>, vector<1024x128xf32>
    %select_n3A_89 = arith.select %lt3A_85, %select_n3A_78, %broadcast_in_dim3A_83 : vector<1024x128xi1>, vector<1024x128xi32>
    %select_n3A_90 = arith.select %lt3A_86, %select_n3A_89, %select_n3A_74 : vector<1024x128xi1>, vector<1024x128xi32>
    %select_n3A_91 = arith.select %lt3A_84, %select_n3A_79, %slice3A_81 : vector<1024x128xi1>, vector<1024x128xf32>
    %select_n3A_92 = arith.select %lt3A_85, %select_n3A_91, %select_n3A_76 : vector<1024x128xi1>, vector<1024x128xf32>
    %select_n3A_93 = arith.select %lt3A_84, %select_n3A_80, %broadcast_in_dim3A_83 : vector<1024x128xi1>, vector<1024x128xi32>
    %select_n3A_94 = arith.select %lt3A_85, %select_n3A_93, %select_n3A_78 : vector<1024x128xi1>, vector<1024x128xi32>
    %select_n3A_95 = arith.select %lt3A_84, %slice3A_81, %select_n3A_79 : vector<1024x128xi1>, vector<1024x128xf32>
    %select_n3A_96 = arith.select %lt3A_84, %broadcast_in_dim3A_83, %select_n3A_80 : vector<1024x128xi1>, vector<1024x128xi32>
    %slice3A_97 = vector.extract_strided_slice %add3A_15 {offsets = [0, 640], sizes = [1024, 128], strides = [1, 1]} : vector<1024x4096xf32> to vector<1024x128xf32>
    %broadcast_in_dim3A_98 = arith.constant 5 : i32
    %broadcast_in_dim3A_99 = vector.broadcast %broadcast_in_dim3A_98 : i32 to vector<1024x128xi32>
    %lt3A_100 = arith.cmpf olt, %slice3A_97, %select_n3A_95 : vector<1024x128xf32>
    %lt3A_101 = arith.cmpf olt, %slice3A_97, %select_n3A_92 : vector<1024x128xf32>
    %lt3A_102 = arith.cmpf olt, %slice3A_97, %select_n3A_88 : vector<1024x128xf32>
    %select_n3A_103 = arith.select %lt3A_101, %select_n3A_92, %slice3A_97 : vector<1024x128xi1>, vector<1024x128xf32>
    %select_n3A_104 = arith.select %lt3A_102, %select_n3A_103, %select_n3A_88 : vector<1024x128xi1>, vector<1024x128xf32>
    %select_n3A_105 = arith.select %lt3A_101, %select_n3A_94, %broadcast_in_dim3A_99 : vector<1024x128xi1>, vector<1024x128xi32>
    %select_n3A_106 = arith.select %lt3A_102, %select_n3A_105, %select_n3A_90 : vector<1024x128xi1>, vector<1024x128xi32>
    %select_n3A_107 = arith.select %lt3A_100, %select_n3A_95, %slice3A_97 : vector<1024x128xi1>, vector<1024x128xf32>
    %select_n3A_108 = arith.select %lt3A_101, %select_n3A_107, %select_n3A_92 : vector<1024x128xi1>, vector<1024x128xf32>
    %select_n3A_109 = arith.select %lt3A_100, %select_n3A_96, %broadcast_in_dim3A_99 : vector<1024x128xi1>, vector<1024x128xi32>
    %select_n3A_110 = arith.select %lt3A_101, %select_n3A_109, %select_n3A_94 : vector<1024x128xi1>, vector<1024x128xi32>
    %select_n3A_111 = arith.select %lt3A_100, %slice3A_97, %select_n3A_95 : vector<1024x128xi1>, vector<1024x128xf32>
    %select_n3A_112 = arith.select %lt3A_100, %broadcast_in_dim3A_99, %select_n3A_96 : vector<1024x128xi1>, vector<1024x128xi32>
    %slice3A_113 = vector.extract_strided_slice %add3A_15 {offsets = [0, 768], sizes = [1024, 128], strides = [1, 1]} : vector<1024x4096xf32> to vector<1024x128xf32>
    %broadcast_in_dim3A_114 = arith.constant 6 : i32
    %broadcast_in_dim3A_115 = vector.broadcast %broadcast_in_dim3A_114 : i32 to vector<1024x128xi32>
    %lt3A_116 = arith.cmpf olt, %slice3A_113, %select_n3A_111 : vector<1024x128xf32>
    %lt3A_117 = arith.cmpf olt, %slice3A_113, %select_n3A_108 : vector<1024x128xf32>
    %lt3A_118 = arith.cmpf olt, %slice3A_113, %select_n3A_104 : vector<1024x128xf32>
    %select_n3A_119 = arith.select %lt3A_117, %select_n3A_108, %slice3A_113 : vector<1024x128xi1>, vector<1024x128xf32>
    %select_n3A_120 = arith.select %lt3A_118, %select_n3A_119, %select_n3A_104 : vector<1024x128xi1>, vector<1024x128xf32>
    %select_n3A_121 = arith.select %lt3A_117, %select_n3A_110, %broadcast_in_dim3A_115 : vector<1024x128xi1>, vector<1024x128xi32>
    %select_n3A_122 = arith.select %lt3A_118, %select_n3A_121, %select_n3A_106 : vector<1024x128xi1>, vector<1024x128xi32>
    %select_n3A_123 = arith.select %lt3A_116, %select_n3A_111, %slice3A_113 : vector<1024x128xi1>, vector<1024x128xf32>
    %select_n3A_124 = arith.select %lt3A_117, %select_n3A_123, %select_n3A_108 : vector<1024x128xi1>, vector<1024x128xf32>
    %select_n3A_125 = arith.select %lt3A_116, %select_n3A_112, %broadcast_in_dim3A_115 : vector<1024x128xi1>, vector<1024x128xi32>
    %select_n3A_126 = arith.select %lt3A_117, %select_n3A_125, %select_n3A_110 : vector<1024x128xi1>, vector<1024x128xi32>
    %select_n3A_127 = arith.select %lt3A_116, %slice3A_113, %select_n3A_111 : vector<1024x128xi1>, vector<1024x128xf32>
    %select_n3A_128 = arith.select %lt3A_116, %broadcast_in_dim3A_115, %select_n3A_112 : vector<1024x128xi1>, vector<1024x128xi32>
    %slice3A_129 = vector.extract_strided_slice %add3A_15 {offsets = [0, 896], sizes = [1024, 128], strides = [1, 1]} : vector<1024x4096xf32> to vector<1024x128xf32>
    %broadcast_in_dim3A_130 = arith.constant 7 : i32
    %broadcast_in_dim3A_131 = vector.broadcast %broadcast_in_dim3A_130 : i32 to vector<1024x128xi32>
    %lt3A_132 = arith.cmpf olt, %slice3A_129, %select_n3A_127 : vector<1024x128xf32>
    %lt3A_133 = arith.cmpf olt, %slice3A_129, %select_n3A_124 : vector<1024x128xf32>
    %lt3A_134 = arith.cmpf olt, %slice3A_129, %select_n3A_120 : vector<1024x128xf32>
    %select_n3A_135 = arith.select %lt3A_133, %select_n3A_124, %slice3A_129 : vector<1024x128xi1>, vector<1024x128xf32>
    %select_n3A_136 = arith.select %lt3A_134, %select_n3A_135, %select_n3A_120 : vector<1024x128xi1>, vector<1024x128xf32>
    %select_n3A_137 = arith.select %lt3A_133, %select_n3A_126, %broadcast_in_dim3A_131 : vector<1024x128xi1>, vector<1024x128xi32>
    %select_n3A_138 = arith.select %lt3A_134, %select_n3A_137, %select_n3A_122 : vector<1024x128xi1>, vector<1024x128xi32>
    %select_n3A_139 = arith.select %lt3A_132, %select_n3A_127, %slice3A_129 : vector<1024x128xi1>, vector<1024x128xf32>
    %select_n3A_140 = arith.select %lt3A_133, %select_n3A_139, %select_n3A_124 : vector<1024x128xi1>, vector<1024x128xf32>
    %select_n3A_141 = arith.select %lt3A_132, %select_n3A_128, %broadcast_in_dim3A_131 : vector<1024x128xi1>, vector<1024x128xi32>
    %select_n3A_142 = arith.select %lt3A_133, %select_n3A_141, %select_n3A_126 : vector<1024x128xi1>, vector<1024x128xi32>
    %select_n3A_143 = arith.select %lt3A_132, %slice3A_129, %select_n3A_127 : vector<1024x128xi1>, vector<1024x128xf32>
    %select_n3A_144 = arith.select %lt3A_132, %broadcast_in_dim3A_131, %select_n3A_128 : vector<1024x128xi1>, vector<1024x128xi32>
    %slice3A_145 = vector.extract_strided_slice %add3A_15 {offsets = [0, 1024], sizes = [1024, 128], strides = [1, 1]} : vector<1024x4096xf32> to vector<1024x128xf32>
    %broadcast_in_dim3A_146 = arith.constant 8 : i32
    %broadcast_in_dim3A_147 = vector.broadcast %broadcast_in_dim3A_146 : i32 to vector<1024x128xi32>
    %lt3A_148 = arith.cmpf olt, %slice3A_145, %select_n3A_143 : vector<1024x128xf32>
    %lt3A_149 = arith.cmpf olt, %slice3A_145, %select_n3A_140 : vector<1024x128xf32>
    %lt3A_150 = arith.cmpf olt, %slice3A_145, %select_n3A_136 : vector<1024x128xf32>
    %select_n3A_151 = arith.select %lt3A_149, %select_n3A_140, %slice3A_145 : vector<1024x128xi1>, vector<1024x128xf32>
    %select_n3A_152 = arith.select %lt3A_150, %select_n3A_151, %select_n3A_136 : vector<1024x128xi1>, vector<1024x128xf32>
    %select_n3A_153 = arith.select %lt3A_149, %select_n3A_142, %broadcast_in_dim3A_147 : vector<1024x128xi1>, vector<1024x128xi32>
    %select_n3A_154 = arith.select %lt3A_150, %select_n3A_153, %select_n3A_138 : vector<1024x128xi1>, vector<1024x128xi32>
    %select_n3A_155 = arith.select %lt3A_148, %select_n3A_143, %slice3A_145 : vector<1024x128xi1>, vector<1024x128xf32>
    %select_n3A_156 = arith.select %lt3A_149, %select_n3A_155, %select_n3A_140 : vector<1024x128xi1>, vector<1024x128xf32>
    %select_n3A_157 = arith.select %lt3A_148, %select_n3A_144, %broadcast_in_dim3A_147 : vector<1024x128xi1>, vector<1024x128xi32>
    %select_n3A_158 = arith.select %lt3A_149, %select_n3A_157, %select_n3A_142 : vector<1024x128xi1>, vector<1024x128xi32>
    %select_n3A_159 = arith.select %lt3A_148, %slice3A_145, %select_n3A_143 : vector<1024x128xi1>, vector<1024x128xf32>
    %select_n3A_160 = arith.select %lt3A_148, %broadcast_in_dim3A_147, %select_n3A_144 : vector<1024x128xi1>, vector<1024x128xi32>
    %slice3A_161 = vector.extract_strided_slice %add3A_15 {offsets = [0, 1152], sizes = [1024, 128], strides = [1, 1]} : vector<1024x4096xf32> to vector<1024x128xf32>
    %broadcast_in_dim3A_162 = arith.constant 9 : i32
    %broadcast_in_dim3A_163 = vector.broadcast %broadcast_in_dim3A_162 : i32 to vector<1024x128xi32>
    %lt3A_164 = arith.cmpf olt, %slice3A_161, %select_n3A_159 : vector<1024x128xf32>
    %lt3A_165 = arith.cmpf olt, %slice3A_161, %select_n3A_156 : vector<1024x128xf32>
    %lt3A_166 = arith.cmpf olt, %slice3A_161, %select_n3A_152 : vector<1024x128xf32>
    %select_n3A_167 = arith.select %lt3A_165, %select_n3A_156, %slice3A_161 : vector<1024x128xi1>, vector<1024x128xf32>
    %select_n3A_168 = arith.select %lt3A_166, %select_n3A_167, %select_n3A_152 : vector<1024x128xi1>, vector<1024x128xf32>
    %select_n3A_169 = arith.select %lt3A_165, %select_n3A_158, %broadcast_in_dim3A_163 : vector<1024x128xi1>, vector<1024x128xi32>
    %select_n3A_170 = arith.select %lt3A_166, %select_n3A_169, %select_n3A_154 : vector<1024x128xi1>, vector<1024x128xi32>
    %select_n3A_171 = arith.select %lt3A_164, %select_n3A_159, %slice3A_161 : vector<1024x128xi1>, vector<1024x128xf32>
    %select_n3A_172 = arith.select %lt3A_165, %select_n3A_171, %select_n3A_156 : vector<1024x128xi1>, vector<1024x128xf32>
    %select_n3A_173 = arith.select %lt3A_164, %select_n3A_160, %broadcast_in_dim3A_163 : vector<1024x128xi1>, vector<1024x128xi32>
    %select_n3A_174 = arith.select %lt3A_165, %select_n3A_173, %select_n3A_158 : vector<1024x128xi1>, vector<1024x128xi32>
    %select_n3A_175 = arith.select %lt3A_164, %slice3A_161, %select_n3A_159 : vector<1024x128xi1>, vector<1024x128xf32>
    %select_n3A_176 = arith.select %lt3A_164, %broadcast_in_dim3A_163, %select_n3A_160 : vector<1024x128xi1>, vector<1024x128xi32>
    %slice3A_177 = vector.extract_strided_slice %add3A_15 {offsets = [0, 1280], sizes = [1024, 128], strides = [1, 1]} : vector<1024x4096xf32> to vector<1024x128xf32>
    %broadcast_in_dim3A_178 = arith.constant 10 : i32
    %broadcast_in_dim3A_179 = vector.broadcast %broadcast_in_dim3A_178 : i32 to vector<1024x128xi32>
    %lt3A_180 = arith.cmpf olt, %slice3A_177, %select_n3A_175 : vector<1024x128xf32>
    %lt3A_181 = arith.cmpf olt, %slice3A_177, %select_n3A_172 : vector<1024x128xf32>
    %lt3A_182 = arith.cmpf olt, %slice3A_177, %select_n3A_168 : vector<1024x128xf32>
    %select_n3A_183 = arith.select %lt3A_181, %select_n3A_172, %slice3A_177 : vector<1024x128xi1>, vector<1024x128xf32>
    %select_n3A_184 = arith.select %lt3A_182, %select_n3A_183, %select_n3A_168 : vector<1024x128xi1>, vector<1024x128xf32>
    %select_n3A_185 = arith.select %lt3A_181, %select_n3A_174, %broadcast_in_dim3A_179 : vector<1024x128xi1>, vector<1024x128xi32>
    %select_n3A_186 = arith.select %lt3A_182, %select_n3A_185, %select_n3A_170 : vector<1024x128xi1>, vector<1024x128xi32>
    %select_n3A_187 = arith.select %lt3A_180, %select_n3A_175, %slice3A_177 : vector<1024x128xi1>, vector<1024x128xf32>
    %select_n3A_188 = arith.select %lt3A_181, %select_n3A_187, %select_n3A_172 : vector<1024x128xi1>, vector<1024x128xf32>
    %select_n3A_189 = arith.select %lt3A_180, %select_n3A_176, %broadcast_in_dim3A_179 : vector<1024x128xi1>, vector<1024x128xi32>
    %select_n3A_190 = arith.select %lt3A_181, %select_n3A_189, %select_n3A_174 : vector<1024x128xi1>, vector<1024x128xi32>
    %select_n3A_191 = arith.select %lt3A_180, %slice3A_177, %select_n3A_175 : vector<1024x128xi1>, vector<1024x128xf32>
    %select_n3A_192 = arith.select %lt3A_180, %broadcast_in_dim3A_179, %select_n3A_176 : vector<1024x128xi1>, vector<1024x128xi32>
    %slice3A_193 = vector.extract_strided_slice %add3A_15 {offsets = [0, 1408], sizes = [1024, 128], strides = [1, 1]} : vector<1024x4096xf32> to vector<1024x128xf32>
    %broadcast_in_dim3A_194 = arith.constant 11 : i32
    %broadcast_in_dim3A_195 = vector.broadcast %broadcast_in_dim3A_194 : i32 to vector<1024x128xi32>
    %lt3A_196 = arith.cmpf olt, %slice3A_193, %select_n3A_191 : vector<1024x128xf32>
    %lt3A_197 = arith.cmpf olt, %slice3A_193, %select_n3A_188 : vector<1024x128xf32>
    %lt3A_198 = arith.cmpf olt, %slice3A_193, %select_n3A_184 : vector<1024x128xf32>
    %select_n3A_199 = arith.select %lt3A_197, %select_n3A_188, %slice3A_193 : vector<1024x128xi1>, vector<1024x128xf32>
    %select_n3A_200 = arith.select %lt3A_198, %select_n3A_199, %select_n3A_184 : vector<1024x128xi1>, vector<1024x128xf32>
    %select_n3A_201 = arith.select %lt3A_197, %select_n3A_190, %broadcast_in_dim3A_195 : vector<1024x128xi1>, vector<1024x128xi32>
    %select_n3A_202 = arith.select %lt3A_198, %select_n3A_201, %select_n3A_186 : vector<1024x128xi1>, vector<1024x128xi32>
    %select_n3A_203 = arith.select %lt3A_196, %select_n3A_191, %slice3A_193 : vector<1024x128xi1>, vector<1024x128xf32>
    %select_n3A_204 = arith.select %lt3A_197, %select_n3A_203, %select_n3A_188 : vector<1024x128xi1>, vector<1024x128xf32>
    %select_n3A_205 = arith.select %lt3A_196, %select_n3A_192, %broadcast_in_dim3A_195 : vector<1024x128xi1>, vector<1024x128xi32>
    %select_n3A_206 = arith.select %lt3A_197, %select_n3A_205, %select_n3A_190 : vector<1024x128xi1>, vector<1024x128xi32>
    %select_n3A_207 = arith.select %lt3A_196, %slice3A_193, %select_n3A_191 : vector<1024x128xi1>, vector<1024x128xf32>
    %select_n3A_208 = arith.select %lt3A_196, %broadcast_in_dim3A_195, %select_n3A_192 : vector<1024x128xi1>, vector<1024x128xi32>
    %slice3A_209 = vector.extract_strided_slice %add3A_15 {offsets = [0, 1536], sizes = [1024, 128], strides = [1, 1]} : vector<1024x4096xf32> to vector<1024x128xf32>
    %broadcast_in_dim3A_210 = arith.constant 12 : i32
    %broadcast_in_dim3A_211 = vector.broadcast %broadcast_in_dim3A_210 : i32 to vector<1024x128xi32>
    %lt3A_212 = arith.cmpf olt, %slice3A_209, %select_n3A_207 : vector<1024x128xf32>
    %lt3A_213 = arith.cmpf olt, %slice3A_209, %select_n3A_204 : vector<1024x128xf32>
    %lt3A_214 = arith.cmpf olt, %slice3A_209, %select_n3A_200 : vector<1024x128xf32>
    %select_n3A_215 = arith.select %lt3A_213, %select_n3A_204, %slice3A_209 : vector<1024x128xi1>, vector<1024x128xf32>
    %select_n3A_216 = arith.select %lt3A_214, %select_n3A_215, %select_n3A_200 : vector<1024x128xi1>, vector<1024x128xf32>
    %select_n3A_217 = arith.select %lt3A_213, %select_n3A_206, %broadcast_in_dim3A_211 : vector<1024x128xi1>, vector<1024x128xi32>
    %select_n3A_218 = arith.select %lt3A_214, %select_n3A_217, %select_n3A_202 : vector<1024x128xi1>, vector<1024x128xi32>
    %select_n3A_219 = arith.select %lt3A_212, %select_n3A_207, %slice3A_209 : vector<1024x128xi1>, vector<1024x128xf32>
    %select_n3A_220 = arith.select %lt3A_213, %select_n3A_219, %select_n3A_204 : vector<1024x128xi1>, vector<1024x128xf32>
    %select_n3A_221 = arith.select %lt3A_212, %select_n3A_208, %broadcast_in_dim3A_211 : vector<1024x128xi1>, vector<1024x128xi32>
    %select_n3A_222 = arith.select %lt3A_213, %select_n3A_221, %select_n3A_206 : vector<1024x128xi1>, vector<1024x128xi32>
    %select_n3A_223 = arith.select %lt3A_212, %slice3A_209, %select_n3A_207 : vector<1024x128xi1>, vector<1024x128xf32>
    %select_n3A_224 = arith.select %lt3A_212, %broadcast_in_dim3A_211, %select_n3A_208 : vector<1024x128xi1>, vector<1024x128xi32>
    %slice3A_225 = vector.extract_strided_slice %add3A_15 {offsets = [0, 1664], sizes = [1024, 128], strides = [1, 1]} : vector<1024x4096xf32> to vector<1024x128xf32>
    %broadcast_in_dim3A_226 = arith.constant 13 : i32
    %broadcast_in_dim3A_227 = vector.broadcast %broadcast_in_dim3A_226 : i32 to vector<1024x128xi32>
    %lt3A_228 = arith.cmpf olt, %slice3A_225, %select_n3A_223 : vector<1024x128xf32>
    %lt3A_229 = arith.cmpf olt, %slice3A_225, %select_n3A_220 : vector<1024x128xf32>
    %lt3A_230 = arith.cmpf olt, %slice3A_225, %select_n3A_216 : vector<1024x128xf32>
    %select_n3A_231 = arith.select %lt3A_229, %select_n3A_220, %slice3A_225 : vector<1024x128xi1>, vector<1024x128xf32>
    %select_n3A_232 = arith.select %lt3A_230, %select_n3A_231, %select_n3A_216 : vector<1024x128xi1>, vector<1024x128xf32>
    %select_n3A_233 = arith.select %lt3A_229, %select_n3A_222, %broadcast_in_dim3A_227 : vector<1024x128xi1>, vector<1024x128xi32>
    %select_n3A_234 = arith.select %lt3A_230, %select_n3A_233, %select_n3A_218 : vector<1024x128xi1>, vector<1024x128xi32>
    %select_n3A_235 = arith.select %lt3A_228, %select_n3A_223, %slice3A_225 : vector<1024x128xi1>, vector<1024x128xf32>
    %select_n3A_236 = arith.select %lt3A_229, %select_n3A_235, %select_n3A_220 : vector<1024x128xi1>, vector<1024x128xf32>
    %select_n3A_237 = arith.select %lt3A_228, %select_n3A_224, %broadcast_in_dim3A_227 : vector<1024x128xi1>, vector<1024x128xi32>
    %select_n3A_238 = arith.select %lt3A_229, %select_n3A_237, %select_n3A_222 : vector<1024x128xi1>, vector<1024x128xi32>
    %select_n3A_239 = arith.select %lt3A_228, %slice3A_225, %select_n3A_223 : vector<1024x128xi1>, vector<1024x128xf32>
    %select_n3A_240 = arith.select %lt3A_228, %broadcast_in_dim3A_227, %select_n3A_224 : vector<1024x128xi1>, vector<1024x128xi32>
    %slice3A_241 = vector.extract_strided_slice %add3A_15 {offsets = [0, 1792], sizes = [1024, 128], strides = [1, 1]} : vector<1024x4096xf32> to vector<1024x128xf32>
    %broadcast_in_dim3A_242 = arith.constant 14 : i32
    %broadcast_in_dim3A_243 = vector.broadcast %broadcast_in_dim3A_242 : i32 to vector<1024x128xi32>
    %lt3A_244 = arith.cmpf olt, %slice3A_241, %select_n3A_239 : vector<1024x128xf32>
    %lt3A_245 = arith.cmpf olt, %slice3A_241, %select_n3A_236 : vector<1024x128xf32>
    %lt3A_246 = arith.cmpf olt, %slice3A_241, %select_n3A_232 : vector<1024x128xf32>
    %select_n3A_247 = arith.select %lt3A_245, %select_n3A_236, %slice3A_241 : vector<1024x128xi1>, vector<1024x128xf32>
    %select_n3A_248 = arith.select %lt3A_246, %select_n3A_247, %select_n3A_232 : vector<1024x128xi1>, vector<1024x128xf32>
    %select_n3A_249 = arith.select %lt3A_245, %select_n3A_238, %broadcast_in_dim3A_243 : vector<1024x128xi1>, vector<1024x128xi32>
    %select_n3A_250 = arith.select %lt3A_246, %select_n3A_249, %select_n3A_234 : vector<1024x128xi1>, vector<1024x128xi32>
    %select_n3A_251 = arith.select %lt3A_244, %select_n3A_239, %slice3A_241 : vector<1024x128xi1>, vector<1024x128xf32>
    %select_n3A_252 = arith.select %lt3A_245, %select_n3A_251, %select_n3A_236 : vector<1024x128xi1>, vector<1024x128xf32>
    %select_n3A_253 = arith.select %lt3A_244, %select_n3A_240, %broadcast_in_dim3A_243 : vector<1024x128xi1>, vector<1024x128xi32>
    %select_n3A_254 = arith.select %lt3A_245, %select_n3A_253, %select_n3A_238 : vector<1024x128xi1>, vector<1024x128xi32>
    %select_n3A_255 = arith.select %lt3A_244, %slice3A_241, %select_n3A_239 : vector<1024x128xi1>, vector<1024x128xf32>
    %select_n3A_256 = arith.select %lt3A_244, %broadcast_in_dim3A_243, %select_n3A_240 : vector<1024x128xi1>, vector<1024x128xi32>
    %slice3A_257 = vector.extract_strided_slice %add3A_15 {offsets = [0, 1920], sizes = [1024, 128], strides = [1, 1]} : vector<1024x4096xf32> to vector<1024x128xf32>
    %broadcast_in_dim3A_258 = arith.constant 15 : i32
    %broadcast_in_dim3A_259 = vector.broadcast %broadcast_in_dim3A_258 : i32 to vector<1024x128xi32>
    %lt3A_260 = arith.cmpf olt, %slice3A_257, %select_n3A_255 : vector<1024x128xf32>
    %lt3A_261 = arith.cmpf olt, %slice3A_257, %select_n3A_252 : vector<1024x128xf32>
    %lt3A_262 = arith.cmpf olt, %slice3A_257, %select_n3A_248 : vector<1024x128xf32>
    %select_n3A_263 = arith.select %lt3A_261, %select_n3A_252, %slice3A_257 : vector<1024x128xi1>, vector<1024x128xf32>
    %select_n3A_264 = arith.select %lt3A_262, %select_n3A_263, %select_n3A_248 : vector<1024x128xi1>, vector<1024x128xf32>
    %select_n3A_265 = arith.select %lt3A_261, %select_n3A_254, %broadcast_in_dim3A_259 : vector<1024x128xi1>, vector<1024x128xi32>
    %select_n3A_266 = arith.select %lt3A_262, %select_n3A_265, %select_n3A_250 : vector<1024x128xi1>, vector<1024x128xi32>
    %select_n3A_267 = arith.select %lt3A_260, %select_n3A_255, %slice3A_257 : vector<1024x128xi1>, vector<1024x128xf32>
    %select_n3A_268 = arith.select %lt3A_261, %select_n3A_267, %select_n3A_252 : vector<1024x128xi1>, vector<1024x128xf32>
    %select_n3A_269 = arith.select %lt3A_260, %select_n3A_256, %broadcast_in_dim3A_259 : vector<1024x128xi1>, vector<1024x128xi32>
    %select_n3A_270 = arith.select %lt3A_261, %select_n3A_269, %select_n3A_254 : vector<1024x128xi1>, vector<1024x128xi32>
    %select_n3A_271 = arith.select %lt3A_260, %slice3A_257, %select_n3A_255 : vector<1024x128xi1>, vector<1024x128xf32>
    %select_n3A_272 = arith.select %lt3A_260, %broadcast_in_dim3A_259, %select_n3A_256 : vector<1024x128xi1>, vector<1024x128xi32>
    %slice3A_273 = vector.extract_strided_slice %add3A_15 {offsets = [0, 2048], sizes = [1024, 128], strides = [1, 1]} : vector<1024x4096xf32> to vector<1024x128xf32>
    %broadcast_in_dim3A_274 = arith.constant 16 : i32
    %broadcast_in_dim3A_275 = vector.broadcast %broadcast_in_dim3A_274 : i32 to vector<1024x128xi32>
    %lt3A_276 = arith.cmpf olt, %slice3A_273, %select_n3A_271 : vector<1024x128xf32>
    %lt3A_277 = arith.cmpf olt, %slice3A_273, %select_n3A_268 : vector<1024x128xf32>
    %lt3A_278 = arith.cmpf olt, %slice3A_273, %select_n3A_264 : vector<1024x128xf32>
    %select_n3A_279 = arith.select %lt3A_277, %select_n3A_268, %slice3A_273 : vector<1024x128xi1>, vector<1024x128xf32>
    %select_n3A_280 = arith.select %lt3A_278, %select_n3A_279, %select_n3A_264 : vector<1024x128xi1>, vector<1024x128xf32>
    %select_n3A_281 = arith.select %lt3A_277, %select_n3A_270, %broadcast_in_dim3A_275 : vector<1024x128xi1>, vector<1024x128xi32>
    %select_n3A_282 = arith.select %lt3A_278, %select_n3A_281, %select_n3A_266 : vector<1024x128xi1>, vector<1024x128xi32>
    %select_n3A_283 = arith.select %lt3A_276, %select_n3A_271, %slice3A_273 : vector<1024x128xi1>, vector<1024x128xf32>
    %select_n3A_284 = arith.select %lt3A_277, %select_n3A_283, %select_n3A_268 : vector<1024x128xi1>, vector<1024x128xf32>
    %select_n3A_285 = arith.select %lt3A_276, %select_n3A_272, %broadcast_in_dim3A_275 : vector<1024x128xi1>, vector<1024x128xi32>
    %select_n3A_286 = arith.select %lt3A_277, %select_n3A_285, %select_n3A_270 : vector<1024x128xi1>, vector<1024x128xi32>
    %select_n3A_287 = arith.select %lt3A_276, %slice3A_273, %select_n3A_271 : vector<1024x128xi1>, vector<1024x128xf32>
    %select_n3A_288 = arith.select %lt3A_276, %broadcast_in_dim3A_275, %select_n3A_272 : vector<1024x128xi1>, vector<1024x128xi32>
    %slice3A_289 = vector.extract_strided_slice %add3A_15 {offsets = [0, 2176], sizes = [1024, 128], strides = [1, 1]} : vector<1024x4096xf32> to vector<1024x128xf32>
    %broadcast_in_dim3A_290 = arith.constant 17 : i32
    %broadcast_in_dim3A_291 = vector.broadcast %broadcast_in_dim3A_290 : i32 to vector<1024x128xi32>
    %lt3A_292 = arith.cmpf olt, %slice3A_289, %select_n3A_287 : vector<1024x128xf32>
    %lt3A_293 = arith.cmpf olt, %slice3A_289, %select_n3A_284 : vector<1024x128xf32>
    %lt3A_294 = arith.cmpf olt, %slice3A_289, %select_n3A_280 : vector<1024x128xf32>
    %select_n3A_295 = arith.select %lt3A_293, %select_n3A_284, %slice3A_289 : vector<1024x128xi1>, vector<1024x128xf32>
    %select_n3A_296 = arith.select %lt3A_294, %select_n3A_295, %select_n3A_280 : vector<1024x128xi1>, vector<1024x128xf32>
    %select_n3A_297 = arith.select %lt3A_293, %select_n3A_286, %broadcast_in_dim3A_291 : vector<1024x128xi1>, vector<1024x128xi32>
    %select_n3A_298 = arith.select %lt3A_294, %select_n3A_297, %select_n3A_282 : vector<1024x128xi1>, vector<1024x128xi32>
    %select_n3A_299 = arith.select %lt3A_292, %select_n3A_287, %slice3A_289 : vector<1024x128xi1>, vector<1024x128xf32>
    %select_n3A_300 = arith.select %lt3A_293, %select_n3A_299, %select_n3A_284 : vector<1024x128xi1>, vector<1024x128xf32>
    %select_n3A_301 = arith.select %lt3A_292, %select_n3A_288, %broadcast_in_dim3A_291 : vector<1024x128xi1>, vector<1024x128xi32>
    %select_n3A_302 = arith.select %lt3A_293, %select_n3A_301, %select_n3A_286 : vector<1024x128xi1>, vector<1024x128xi32>
    %select_n3A_303 = arith.select %lt3A_292, %slice3A_289, %select_n3A_287 : vector<1024x128xi1>, vector<1024x128xf32>
    %select_n3A_304 = arith.select %lt3A_292, %broadcast_in_dim3A_291, %select_n3A_288 : vector<1024x128xi1>, vector<1024x128xi32>
    %slice3A_305 = vector.extract_strided_slice %add3A_15 {offsets = [0, 2304], sizes = [1024, 128], strides = [1, 1]} : vector<1024x4096xf32> to vector<1024x128xf32>
    %broadcast_in_dim3A_306 = arith.constant 18 : i32
    %broadcast_in_dim3A_307 = vector.broadcast %broadcast_in_dim3A_306 : i32 to vector<1024x128xi32>
    %lt3A_308 = arith.cmpf olt, %slice3A_305, %select_n3A_303 : vector<1024x128xf32>
    %lt3A_309 = arith.cmpf olt, %slice3A_305, %select_n3A_300 : vector<1024x128xf32>
    %lt3A_310 = arith.cmpf olt, %slice3A_305, %select_n3A_296 : vector<1024x128xf32>
    %select_n3A_311 = arith.select %lt3A_309, %select_n3A_300, %slice3A_305 : vector<1024x128xi1>, vector<1024x128xf32>
    %select_n3A_312 = arith.select %lt3A_310, %select_n3A_311, %select_n3A_296 : vector<1024x128xi1>, vector<1024x128xf32>
    %select_n3A_313 = arith.select %lt3A_309, %select_n3A_302, %broadcast_in_dim3A_307 : vector<1024x128xi1>, vector<1024x128xi32>
    %select_n3A_314 = arith.select %lt3A_310, %select_n3A_313, %select_n3A_298 : vector<1024x128xi1>, vector<1024x128xi32>
    %select_n3A_315 = arith.select %lt3A_308, %select_n3A_303, %slice3A_305 : vector<1024x128xi1>, vector<1024x128xf32>
    %select_n3A_316 = arith.select %lt3A_309, %select_n3A_315, %select_n3A_300 : vector<1024x128xi1>, vector<1024x128xf32>
    %select_n3A_317 = arith.select %lt3A_308, %select_n3A_304, %broadcast_in_dim3A_307 : vector<1024x128xi1>, vector<1024x128xi32>
    %select_n3A_318 = arith.select %lt3A_309, %select_n3A_317, %select_n3A_302 : vector<1024x128xi1>, vector<1024x128xi32>
    %select_n3A_319 = arith.select %lt3A_308, %slice3A_305, %select_n3A_303 : vector<1024x128xi1>, vector<1024x128xf32>
    %select_n3A_320 = arith.select %lt3A_308, %broadcast_in_dim3A_307, %select_n3A_304 : vector<1024x128xi1>, vector<1024x128xi32>
    %slice3A_321 = vector.extract_strided_slice %add3A_15 {offsets = [0, 2432], sizes = [1024, 128], strides = [1, 1]} : vector<1024x4096xf32> to vector<1024x128xf32>
    %broadcast_in_dim3A_322 = arith.constant 19 : i32
    %broadcast_in_dim3A_323 = vector.broadcast %broadcast_in_dim3A_322 : i32 to vector<1024x128xi32>
    %lt3A_324 = arith.cmpf olt, %slice3A_321, %select_n3A_319 : vector<1024x128xf32>
    %lt3A_325 = arith.cmpf olt, %slice3A_321, %select_n3A_316 : vector<1024x128xf32>
    %lt3A_326 = arith.cmpf olt, %slice3A_321, %select_n3A_312 : vector<1024x128xf32>
    %select_n3A_327 = arith.select %lt3A_325, %select_n3A_316, %slice3A_321 : vector<1024x128xi1>, vector<1024x128xf32>
    %select_n3A_328 = arith.select %lt3A_326, %select_n3A_327, %select_n3A_312 : vector<1024x128xi1>, vector<1024x128xf32>
    %select_n3A_329 = arith.select %lt3A_325, %select_n3A_318, %broadcast_in_dim3A_323 : vector<1024x128xi1>, vector<1024x128xi32>
    %select_n3A_330 = arith.select %lt3A_326, %select_n3A_329, %select_n3A_314 : vector<1024x128xi1>, vector<1024x128xi32>
    %select_n3A_331 = arith.select %lt3A_324, %select_n3A_319, %slice3A_321 : vector<1024x128xi1>, vector<1024x128xf32>
    %select_n3A_332 = arith.select %lt3A_325, %select_n3A_331, %select_n3A_316 : vector<1024x128xi1>, vector<1024x128xf32>
    %select_n3A_333 = arith.select %lt3A_324, %select_n3A_320, %broadcast_in_dim3A_323 : vector<1024x128xi1>, vector<1024x128xi32>
    %select_n3A_334 = arith.select %lt3A_325, %select_n3A_333, %select_n3A_318 : vector<1024x128xi1>, vector<1024x128xi32>
    %select_n3A_335 = arith.select %lt3A_324, %slice3A_321, %select_n3A_319 : vector<1024x128xi1>, vector<1024x128xf32>
    %select_n3A_336 = arith.select %lt3A_324, %broadcast_in_dim3A_323, %select_n3A_320 : vector<1024x128xi1>, vector<1024x128xi32>
    %slice3A_337 = vector.extract_strided_slice %add3A_15 {offsets = [0, 2560], sizes = [1024, 128], strides = [1, 1]} : vector<1024x4096xf32> to vector<1024x128xf32>
    %broadcast_in_dim3A_338 = arith.constant 20 : i32
    %broadcast_in_dim3A_339 = vector.broadcast %broadcast_in_dim3A_338 : i32 to vector<1024x128xi32>
    %lt3A_340 = arith.cmpf olt, %slice3A_337, %select_n3A_335 : vector<1024x128xf32>
    %lt3A_341 = arith.cmpf olt, %slice3A_337, %select_n3A_332 : vector<1024x128xf32>
    %lt3A_342 = arith.cmpf olt, %slice3A_337, %select_n3A_328 : vector<1024x128xf32>
    %select_n3A_343 = arith.select %lt3A_341, %select_n3A_332, %slice3A_337 : vector<1024x128xi1>, vector<1024x128xf32>
    %select_n3A_344 = arith.select %lt3A_342, %select_n3A_343, %select_n3A_328 : vector<1024x128xi1>, vector<1024x128xf32>
    %select_n3A_345 = arith.select %lt3A_341, %select_n3A_334, %broadcast_in_dim3A_339 : vector<1024x128xi1>, vector<1024x128xi32>
    %select_n3A_346 = arith.select %lt3A_342, %select_n3A_345, %select_n3A_330 : vector<1024x128xi1>, vector<1024x128xi32>
    %select_n3A_347 = arith.select %lt3A_340, %select_n3A_335, %slice3A_337 : vector<1024x128xi1>, vector<1024x128xf32>
    %select_n3A_348 = arith.select %lt3A_341, %select_n3A_347, %select_n3A_332 : vector<1024x128xi1>, vector<1024x128xf32>
    %select_n3A_349 = arith.select %lt3A_340, %select_n3A_336, %broadcast_in_dim3A_339 : vector<1024x128xi1>, vector<1024x128xi32>
    %select_n3A_350 = arith.select %lt3A_341, %select_n3A_349, %select_n3A_334 : vector<1024x128xi1>, vector<1024x128xi32>
    %select_n3A_351 = arith.select %lt3A_340, %slice3A_337, %select_n3A_335 : vector<1024x128xi1>, vector<1024x128xf32>
    %select_n3A_352 = arith.select %lt3A_340, %broadcast_in_dim3A_339, %select_n3A_336 : vector<1024x128xi1>, vector<1024x128xi32>
    %slice3A_353 = vector.extract_strided_slice %add3A_15 {offsets = [0, 2688], sizes = [1024, 128], strides = [1, 1]} : vector<1024x4096xf32> to vector<1024x128xf32>
    %broadcast_in_dim3A_354 = arith.constant 21 : i32
    %broadcast_in_dim3A_355 = vector.broadcast %broadcast_in_dim3A_354 : i32 to vector<1024x128xi32>
    %lt3A_356 = arith.cmpf olt, %slice3A_353, %select_n3A_351 : vector<1024x128xf32>
    %lt3A_357 = arith.cmpf olt, %slice3A_353, %select_n3A_348 : vector<1024x128xf32>
    %lt3A_358 = arith.cmpf olt, %slice3A_353, %select_n3A_344 : vector<1024x128xf32>
    %select_n3A_359 = arith.select %lt3A_357, %select_n3A_348, %slice3A_353 : vector<1024x128xi1>, vector<1024x128xf32>
    %select_n3A_360 = arith.select %lt3A_358, %select_n3A_359, %select_n3A_344 : vector<1024x128xi1>, vector<1024x128xf32>
    %select_n3A_361 = arith.select %lt3A_357, %select_n3A_350, %broadcast_in_dim3A_355 : vector<1024x128xi1>, vector<1024x128xi32>
    %select_n3A_362 = arith.select %lt3A_358, %select_n3A_361, %select_n3A_346 : vector<1024x128xi1>, vector<1024x128xi32>
    %select_n3A_363 = arith.select %lt3A_356, %select_n3A_351, %slice3A_353 : vector<1024x128xi1>, vector<1024x128xf32>
    %select_n3A_364 = arith.select %lt3A_357, %select_n3A_363, %select_n3A_348 : vector<1024x128xi1>, vector<1024x128xf32>
    %select_n3A_365 = arith.select %lt3A_356, %select_n3A_352, %broadcast_in_dim3A_355 : vector<1024x128xi1>, vector<1024x128xi32>
    %select_n3A_366 = arith.select %lt3A_357, %select_n3A_365, %select_n3A_350 : vector<1024x128xi1>, vector<1024x128xi32>
    %select_n3A_367 = arith.select %lt3A_356, %slice3A_353, %select_n3A_351 : vector<1024x128xi1>, vector<1024x128xf32>
    %select_n3A_368 = arith.select %lt3A_356, %broadcast_in_dim3A_355, %select_n3A_352 : vector<1024x128xi1>, vector<1024x128xi32>
    %slice3A_369 = vector.extract_strided_slice %add3A_15 {offsets = [0, 2816], sizes = [1024, 128], strides = [1, 1]} : vector<1024x4096xf32> to vector<1024x128xf32>
    %broadcast_in_dim3A_370 = arith.constant 22 : i32
    %broadcast_in_dim3A_371 = vector.broadcast %broadcast_in_dim3A_370 : i32 to vector<1024x128xi32>
    %lt3A_372 = arith.cmpf olt, %slice3A_369, %select_n3A_367 : vector<1024x128xf32>
    %lt3A_373 = arith.cmpf olt, %slice3A_369, %select_n3A_364 : vector<1024x128xf32>
    %lt3A_374 = arith.cmpf olt, %slice3A_369, %select_n3A_360 : vector<1024x128xf32>
    %select_n3A_375 = arith.select %lt3A_373, %select_n3A_364, %slice3A_369 : vector<1024x128xi1>, vector<1024x128xf32>
    %select_n3A_376 = arith.select %lt3A_374, %select_n3A_375, %select_n3A_360 : vector<1024x128xi1>, vector<1024x128xf32>
    %select_n3A_377 = arith.select %lt3A_373, %select_n3A_366, %broadcast_in_dim3A_371 : vector<1024x128xi1>, vector<1024x128xi32>
    %select_n3A_378 = arith.select %lt3A_374, %select_n3A_377, %select_n3A_362 : vector<1024x128xi1>, vector<1024x128xi32>
    %select_n3A_379 = arith.select %lt3A_372, %select_n3A_367, %slice3A_369 : vector<1024x128xi1>, vector<1024x128xf32>
    %select_n3A_380 = arith.select %lt3A_373, %select_n3A_379, %select_n3A_364 : vector<1024x128xi1>, vector<1024x128xf32>
    %select_n3A_381 = arith.select %lt3A_372, %select_n3A_368, %broadcast_in_dim3A_371 : vector<1024x128xi1>, vector<1024x128xi32>
    %select_n3A_382 = arith.select %lt3A_373, %select_n3A_381, %select_n3A_366 : vector<1024x128xi1>, vector<1024x128xi32>
    %select_n3A_383 = arith.select %lt3A_372, %slice3A_369, %select_n3A_367 : vector<1024x128xi1>, vector<1024x128xf32>
    %select_n3A_384 = arith.select %lt3A_372, %broadcast_in_dim3A_371, %select_n3A_368 : vector<1024x128xi1>, vector<1024x128xi32>
    %slice3A_385 = vector.extract_strided_slice %add3A_15 {offsets = [0, 2944], sizes = [1024, 128], strides = [1, 1]} : vector<1024x4096xf32> to vector<1024x128xf32>
    %broadcast_in_dim3A_386 = arith.constant 23 : i32
    %broadcast_in_dim3A_387 = vector.broadcast %broadcast_in_dim3A_386 : i32 to vector<1024x128xi32>
    %lt3A_388 = arith.cmpf olt, %slice3A_385, %select_n3A_383 : vector<1024x128xf32>
    %lt3A_389 = arith.cmpf olt, %slice3A_385, %select_n3A_380 : vector<1024x128xf32>
    %lt3A_390 = arith.cmpf olt, %slice3A_385, %select_n3A_376 : vector<1024x128xf32>
    %select_n3A_391 = arith.select %lt3A_389, %select_n3A_380, %slice3A_385 : vector<1024x128xi1>, vector<1024x128xf32>
    %select_n3A_392 = arith.select %lt3A_390, %select_n3A_391, %select_n3A_376 : vector<1024x128xi1>, vector<1024x128xf32>
    %select_n3A_393 = arith.select %lt3A_389, %select_n3A_382, %broadcast_in_dim3A_387 : vector<1024x128xi1>, vector<1024x128xi32>
    %select_n3A_394 = arith.select %lt3A_390, %select_n3A_393, %select_n3A_378 : vector<1024x128xi1>, vector<1024x128xi32>
    %select_n3A_395 = arith.select %lt3A_388, %select_n3A_383, %slice3A_385 : vector<1024x128xi1>, vector<1024x128xf32>
    %select_n3A_396 = arith.select %lt3A_389, %select_n3A_395, %select_n3A_380 : vector<1024x128xi1>, vector<1024x128xf32>
    %select_n3A_397 = arith.select %lt3A_388, %select_n3A_384, %broadcast_in_dim3A_387 : vector<1024x128xi1>, vector<1024x128xi32>
    %select_n3A_398 = arith.select %lt3A_389, %select_n3A_397, %select_n3A_382 : vector<1024x128xi1>, vector<1024x128xi32>
    %select_n3A_399 = arith.select %lt3A_388, %slice3A_385, %select_n3A_383 : vector<1024x128xi1>, vector<1024x128xf32>
    %select_n3A_400 = arith.select %lt3A_388, %broadcast_in_dim3A_387, %select_n3A_384 : vector<1024x128xi1>, vector<1024x128xi32>
    %slice3A_401 = vector.extract_strided_slice %add3A_15 {offsets = [0, 3072], sizes = [1024, 128], strides = [1, 1]} : vector<1024x4096xf32> to vector<1024x128xf32>
    %broadcast_in_dim3A_402 = arith.constant 24 : i32
    %broadcast_in_dim3A_403 = vector.broadcast %broadcast_in_dim3A_402 : i32 to vector<1024x128xi32>
    %lt3A_404 = arith.cmpf olt, %slice3A_401, %select_n3A_399 : vector<1024x128xf32>
    %lt3A_405 = arith.cmpf olt, %slice3A_401, %select_n3A_396 : vector<1024x128xf32>
    %lt3A_406 = arith.cmpf olt, %slice3A_401, %select_n3A_392 : vector<1024x128xf32>
    %select_n3A_407 = arith.select %lt3A_405, %select_n3A_396, %slice3A_401 : vector<1024x128xi1>, vector<1024x128xf32>
    %select_n3A_408 = arith.select %lt3A_406, %select_n3A_407, %select_n3A_392 : vector<1024x128xi1>, vector<1024x128xf32>
    %select_n3A_409 = arith.select %lt3A_405, %select_n3A_398, %broadcast_in_dim3A_403 : vector<1024x128xi1>, vector<1024x128xi32>
    %select_n3A_410 = arith.select %lt3A_406, %select_n3A_409, %select_n3A_394 : vector<1024x128xi1>, vector<1024x128xi32>
    %select_n3A_411 = arith.select %lt3A_404, %select_n3A_399, %slice3A_401 : vector<1024x128xi1>, vector<1024x128xf32>
    %select_n3A_412 = arith.select %lt3A_405, %select_n3A_411, %select_n3A_396 : vector<1024x128xi1>, vector<1024x128xf32>
    %select_n3A_413 = arith.select %lt3A_404, %select_n3A_400, %broadcast_in_dim3A_403 : vector<1024x128xi1>, vector<1024x128xi32>
    %select_n3A_414 = arith.select %lt3A_405, %select_n3A_413, %select_n3A_398 : vector<1024x128xi1>, vector<1024x128xi32>
    %select_n3A_415 = arith.select %lt3A_404, %slice3A_401, %select_n3A_399 : vector<1024x128xi1>, vector<1024x128xf32>
    %select_n3A_416 = arith.select %lt3A_404, %broadcast_in_dim3A_403, %select_n3A_400 : vector<1024x128xi1>, vector<1024x128xi32>
    %slice3A_417 = vector.extract_strided_slice %add3A_15 {offsets = [0, 3200], sizes = [1024, 128], strides = [1, 1]} : vector<1024x4096xf32> to vector<1024x128xf32>
    %broadcast_in_dim3A_418 = arith.constant 25 : i32
    %broadcast_in_dim3A_419 = vector.broadcast %broadcast_in_dim3A_418 : i32 to vector<1024x128xi32>
    %lt3A_420 = arith.cmpf olt, %slice3A_417, %select_n3A_415 : vector<1024x128xf32>
    %lt3A_421 = arith.cmpf olt, %slice3A_417, %select_n3A_412 : vector<1024x128xf32>
    %lt3A_422 = arith.cmpf olt, %slice3A_417, %select_n3A_408 : vector<1024x128xf32>
    %select_n3A_423 = arith.select %lt3A_421, %select_n3A_412, %slice3A_417 : vector<1024x128xi1>, vector<1024x128xf32>
    %select_n3A_424 = arith.select %lt3A_422, %select_n3A_423, %select_n3A_408 : vector<1024x128xi1>, vector<1024x128xf32>
    %select_n3A_425 = arith.select %lt3A_421, %select_n3A_414, %broadcast_in_dim3A_419 : vector<1024x128xi1>, vector<1024x128xi32>
    %select_n3A_426 = arith.select %lt3A_422, %select_n3A_425, %select_n3A_410 : vector<1024x128xi1>, vector<1024x128xi32>
    %select_n3A_427 = arith.select %lt3A_420, %select_n3A_415, %slice3A_417 : vector<1024x128xi1>, vector<1024x128xf32>
    %select_n3A_428 = arith.select %lt3A_421, %select_n3A_427, %select_n3A_412 : vector<1024x128xi1>, vector<1024x128xf32>
    %select_n3A_429 = arith.select %lt3A_420, %select_n3A_416, %broadcast_in_dim3A_419 : vector<1024x128xi1>, vector<1024x128xi32>
    %select_n3A_430 = arith.select %lt3A_421, %select_n3A_429, %select_n3A_414 : vector<1024x128xi1>, vector<1024x128xi32>
    %select_n3A_431 = arith.select %lt3A_420, %slice3A_417, %select_n3A_415 : vector<1024x128xi1>, vector<1024x128xf32>
    %select_n3A_432 = arith.select %lt3A_420, %broadcast_in_dim3A_419, %select_n3A_416 : vector<1024x128xi1>, vector<1024x128xi32>
    %slice3A_433 = vector.extract_strided_slice %add3A_15 {offsets = [0, 3328], sizes = [1024, 128], strides = [1, 1]} : vector<1024x4096xf32> to vector<1024x128xf32>
    %broadcast_in_dim3A_434 = arith.constant 26 : i32
    %broadcast_in_dim3A_435 = vector.broadcast %broadcast_in_dim3A_434 : i32 to vector<1024x128xi32>
    %lt3A_436 = arith.cmpf olt, %slice3A_433, %select_n3A_431 : vector<1024x128xf32>
    %lt3A_437 = arith.cmpf olt, %slice3A_433, %select_n3A_428 : vector<1024x128xf32>
    %lt3A_438 = arith.cmpf olt, %slice3A_433, %select_n3A_424 : vector<1024x128xf32>
    %select_n3A_439 = arith.select %lt3A_437, %select_n3A_428, %slice3A_433 : vector<1024x128xi1>, vector<1024x128xf32>
    %select_n3A_440 = arith.select %lt3A_438, %select_n3A_439, %select_n3A_424 : vector<1024x128xi1>, vector<1024x128xf32>
    %select_n3A_441 = arith.select %lt3A_437, %select_n3A_430, %broadcast_in_dim3A_435 : vector<1024x128xi1>, vector<1024x128xi32>
    %select_n3A_442 = arith.select %lt3A_438, %select_n3A_441, %select_n3A_426 : vector<1024x128xi1>, vector<1024x128xi32>
    %select_n3A_443 = arith.select %lt3A_436, %select_n3A_431, %slice3A_433 : vector<1024x128xi1>, vector<1024x128xf32>
    %select_n3A_444 = arith.select %lt3A_437, %select_n3A_443, %select_n3A_428 : vector<1024x128xi1>, vector<1024x128xf32>
    %select_n3A_445 = arith.select %lt3A_436, %select_n3A_432, %broadcast_in_dim3A_435 : vector<1024x128xi1>, vector<1024x128xi32>
    %select_n3A_446 = arith.select %lt3A_437, %select_n3A_445, %select_n3A_430 : vector<1024x128xi1>, vector<1024x128xi32>
    %select_n3A_447 = arith.select %lt3A_436, %slice3A_433, %select_n3A_431 : vector<1024x128xi1>, vector<1024x128xf32>
    %select_n3A_448 = arith.select %lt3A_436, %broadcast_in_dim3A_435, %select_n3A_432 : vector<1024x128xi1>, vector<1024x128xi32>
    %slice3A_449 = vector.extract_strided_slice %add3A_15 {offsets = [0, 3456], sizes = [1024, 128], strides = [1, 1]} : vector<1024x4096xf32> to vector<1024x128xf32>
    %broadcast_in_dim3A_450 = arith.constant 27 : i32
    %broadcast_in_dim3A_451 = vector.broadcast %broadcast_in_dim3A_450 : i32 to vector<1024x128xi32>
    %lt3A_452 = arith.cmpf olt, %slice3A_449, %select_n3A_447 : vector<1024x128xf32>
    %lt3A_453 = arith.cmpf olt, %slice3A_449, %select_n3A_444 : vector<1024x128xf32>
    %lt3A_454 = arith.cmpf olt, %slice3A_449, %select_n3A_440 : vector<1024x128xf32>
    %select_n3A_455 = arith.select %lt3A_453, %select_n3A_444, %slice3A_449 : vector<1024x128xi1>, vector<1024x128xf32>
    %select_n3A_456 = arith.select %lt3A_454, %select_n3A_455, %select_n3A_440 : vector<1024x128xi1>, vector<1024x128xf32>
    %select_n3A_457 = arith.select %lt3A_453, %select_n3A_446, %broadcast_in_dim3A_451 : vector<1024x128xi1>, vector<1024x128xi32>
    %select_n3A_458 = arith.select %lt3A_454, %select_n3A_457, %select_n3A_442 : vector<1024x128xi1>, vector<1024x128xi32>
    %select_n3A_459 = arith.select %lt3A_452, %select_n3A_447, %slice3A_449 : vector<1024x128xi1>, vector<1024x128xf32>
    %select_n3A_460 = arith.select %lt3A_453, %select_n3A_459, %select_n3A_444 : vector<1024x128xi1>, vector<1024x128xf32>
    %select_n3A_461 = arith.select %lt3A_452, %select_n3A_448, %broadcast_in_dim3A_451 : vector<1024x128xi1>, vector<1024x128xi32>
    %select_n3A_462 = arith.select %lt3A_453, %select_n3A_461, %select_n3A_446 : vector<1024x128xi1>, vector<1024x128xi32>
    %select_n3A_463 = arith.select %lt3A_452, %slice3A_449, %select_n3A_447 : vector<1024x128xi1>, vector<1024x128xf32>
    %select_n3A_464 = arith.select %lt3A_452, %broadcast_in_dim3A_451, %select_n3A_448 : vector<1024x128xi1>, vector<1024x128xi32>
    %slice3A_465 = vector.extract_strided_slice %add3A_15 {offsets = [0, 3584], sizes = [1024, 128], strides = [1, 1]} : vector<1024x4096xf32> to vector<1024x128xf32>
    %broadcast_in_dim3A_466 = arith.constant 28 : i32
    %broadcast_in_dim3A_467 = vector.broadcast %broadcast_in_dim3A_466 : i32 to vector<1024x128xi32>
    %lt3A_468 = arith.cmpf olt, %slice3A_465, %select_n3A_463 : vector<1024x128xf32>
    %lt3A_469 = arith.cmpf olt, %slice3A_465, %select_n3A_460 : vector<1024x128xf32>
    %lt3A_470 = arith.cmpf olt, %slice3A_465, %select_n3A_456 : vector<1024x128xf32>
    %select_n3A_471 = arith.select %lt3A_469, %select_n3A_460, %slice3A_465 : vector<1024x128xi1>, vector<1024x128xf32>
    %select_n3A_472 = arith.select %lt3A_470, %select_n3A_471, %select_n3A_456 : vector<1024x128xi1>, vector<1024x128xf32>
    %select_n3A_473 = arith.select %lt3A_469, %select_n3A_462, %broadcast_in_dim3A_467 : vector<1024x128xi1>, vector<1024x128xi32>
    %select_n3A_474 = arith.select %lt3A_470, %select_n3A_473, %select_n3A_458 : vector<1024x128xi1>, vector<1024x128xi32>
    %select_n3A_475 = arith.select %lt3A_468, %select_n3A_463, %slice3A_465 : vector<1024x128xi1>, vector<1024x128xf32>
    %select_n3A_476 = arith.select %lt3A_469, %select_n3A_475, %select_n3A_460 : vector<1024x128xi1>, vector<1024x128xf32>
    %select_n3A_477 = arith.select %lt3A_468, %select_n3A_464, %broadcast_in_dim3A_467 : vector<1024x128xi1>, vector<1024x128xi32>
    %select_n3A_478 = arith.select %lt3A_469, %select_n3A_477, %select_n3A_462 : vector<1024x128xi1>, vector<1024x128xi32>
    %select_n3A_479 = arith.select %lt3A_468, %slice3A_465, %select_n3A_463 : vector<1024x128xi1>, vector<1024x128xf32>
    %select_n3A_480 = arith.select %lt3A_468, %broadcast_in_dim3A_467, %select_n3A_464 : vector<1024x128xi1>, vector<1024x128xi32>
    %slice3A_481 = vector.extract_strided_slice %add3A_15 {offsets = [0, 3712], sizes = [1024, 128], strides = [1, 1]} : vector<1024x4096xf32> to vector<1024x128xf32>
    %broadcast_in_dim3A_482 = arith.constant 29 : i32
    %broadcast_in_dim3A_483 = vector.broadcast %broadcast_in_dim3A_482 : i32 to vector<1024x128xi32>
    %lt3A_484 = arith.cmpf olt, %slice3A_481, %select_n3A_479 : vector<1024x128xf32>
    %lt3A_485 = arith.cmpf olt, %slice3A_481, %select_n3A_476 : vector<1024x128xf32>
    %lt3A_486 = arith.cmpf olt, %slice3A_481, %select_n3A_472 : vector<1024x128xf32>
    %select_n3A_487 = arith.select %lt3A_485, %select_n3A_476, %slice3A_481 : vector<1024x128xi1>, vector<1024x128xf32>
    %select_n3A_488 = arith.select %lt3A_486, %select_n3A_487, %select_n3A_472 : vector<1024x128xi1>, vector<1024x128xf32>
    %select_n3A_489 = arith.select %lt3A_485, %select_n3A_478, %broadcast_in_dim3A_483 : vector<1024x128xi1>, vector<1024x128xi32>
    %select_n3A_490 = arith.select %lt3A_486, %select_n3A_489, %select_n3A_474 : vector<1024x128xi1>, vector<1024x128xi32>
    %select_n3A_491 = arith.select %lt3A_484, %select_n3A_479, %slice3A_481 : vector<1024x128xi1>, vector<1024x128xf32>
    %select_n3A_492 = arith.select %lt3A_485, %select_n3A_491, %select_n3A_476 : vector<1024x128xi1>, vector<1024x128xf32>
    %select_n3A_493 = arith.select %lt3A_484, %select_n3A_480, %broadcast_in_dim3A_483 : vector<1024x128xi1>, vector<1024x128xi32>
    %select_n3A_494 = arith.select %lt3A_485, %select_n3A_493, %select_n3A_478 : vector<1024x128xi1>, vector<1024x128xi32>
    %select_n3A_495 = arith.select %lt3A_484, %slice3A_481, %select_n3A_479 : vector<1024x128xi1>, vector<1024x128xf32>
    %select_n3A_496 = arith.select %lt3A_484, %broadcast_in_dim3A_483, %select_n3A_480 : vector<1024x128xi1>, vector<1024x128xi32>
    %slice3A_497 = vector.extract_strided_slice %add3A_15 {offsets = [0, 3840], sizes = [1024, 128], strides = [1, 1]} : vector<1024x4096xf32> to vector<1024x128xf32>
    %broadcast_in_dim3A_498 = arith.constant 30 : i32
    %broadcast_in_dim3A_499 = vector.broadcast %broadcast_in_dim3A_498 : i32 to vector<1024x128xi32>
    %lt3A_500 = arith.cmpf olt, %slice3A_497, %select_n3A_495 : vector<1024x128xf32>
    %lt3A_501 = arith.cmpf olt, %slice3A_497, %select_n3A_492 : vector<1024x128xf32>
    %lt3A_502 = arith.cmpf olt, %slice3A_497, %select_n3A_488 : vector<1024x128xf32>
    %select_n3A_503 = arith.select %lt3A_501, %select_n3A_492, %slice3A_497 : vector<1024x128xi1>, vector<1024x128xf32>
    %select_n3A_504 = arith.select %lt3A_502, %select_n3A_503, %select_n3A_488 : vector<1024x128xi1>, vector<1024x128xf32>
    %select_n3A_505 = arith.select %lt3A_501, %select_n3A_494, %broadcast_in_dim3A_499 : vector<1024x128xi1>, vector<1024x128xi32>
    %select_n3A_506 = arith.select %lt3A_502, %select_n3A_505, %select_n3A_490 : vector<1024x128xi1>, vector<1024x128xi32>
    %select_n3A_507 = arith.select %lt3A_500, %select_n3A_495, %slice3A_497 : vector<1024x128xi1>, vector<1024x128xf32>
    %select_n3A_508 = arith.select %lt3A_501, %select_n3A_507, %select_n3A_492 : vector<1024x128xi1>, vector<1024x128xf32>
    %select_n3A_509 = arith.select %lt3A_500, %select_n3A_496, %broadcast_in_dim3A_499 : vector<1024x128xi1>, vector<1024x128xi32>
    %select_n3A_510 = arith.select %lt3A_501, %select_n3A_509, %select_n3A_494 : vector<1024x128xi1>, vector<1024x128xi32>
    %select_n3A_511 = arith.select %lt3A_500, %slice3A_497, %select_n3A_495 : vector<1024x128xi1>, vector<1024x128xf32>
    %select_n3A_512 = arith.select %lt3A_500, %broadcast_in_dim3A_499, %select_n3A_496 : vector<1024x128xi1>, vector<1024x128xi32>
    %slice3A_513 = vector.extract_strided_slice %add3A_15 {offsets = [0, 3968], sizes = [1024, 128], strides = [1, 1]} : vector<1024x4096xf32> to vector<1024x128xf32>
    %broadcast_in_dim3A_514 = arith.constant 31 : i32
    %broadcast_in_dim3A_515 = vector.broadcast %broadcast_in_dim3A_514 : i32 to vector<1024x128xi32>
    %lt3A_516 = arith.cmpf olt, %slice3A_513, %select_n3A_511 : vector<1024x128xf32>
    %lt3A_517 = arith.cmpf olt, %slice3A_513, %select_n3A_508 : vector<1024x128xf32>
    %lt3A_518 = arith.cmpf olt, %slice3A_513, %select_n3A_504 : vector<1024x128xf32>
    %select_n3A_519 = arith.select %lt3A_517, %select_n3A_508, %slice3A_513 : vector<1024x128xi1>, vector<1024x128xf32>
    %select_n3A_520 = arith.select %lt3A_518, %select_n3A_519, %select_n3A_504 : vector<1024x128xi1>, vector<1024x128xf32>
    %select_n3A_521 = arith.select %lt3A_517, %select_n3A_510, %broadcast_in_dim3A_515 : vector<1024x128xi1>, vector<1024x128xi32>
    %select_n3A_522 = arith.select %lt3A_518, %select_n3A_521, %select_n3A_506 : vector<1024x128xi1>, vector<1024x128xi32>
    %select_n3A_523 = arith.select %lt3A_516, %select_n3A_511, %slice3A_513 : vector<1024x128xi1>, vector<1024x128xf32>
    %select_n3A_524 = arith.select %lt3A_517, %select_n3A_523, %select_n3A_508 : vector<1024x128xi1>, vector<1024x128xf32>
    %select_n3A_525 = arith.select %lt3A_516, %select_n3A_512, %broadcast_in_dim3A_515 : vector<1024x128xi1>, vector<1024x128xi32>
    %select_n3A_526 = arith.select %lt3A_517, %select_n3A_525, %select_n3A_510 : vector<1024x128xi1>, vector<1024x128xi32>
    %select_n3A_527 = arith.select %lt3A_516, %slice3A_513, %select_n3A_511 : vector<1024x128xi1>, vector<1024x128xf32>
    %select_n3A_528 = arith.select %lt3A_516, %broadcast_in_dim3A_515, %select_n3A_512 : vector<1024x128xi1>, vector<1024x128xi32>
    %iota3A = tpu.iota {dimensions = array<i32: 1>} : vector<1024x128xi32>
    %concatenate3A = tpu.concatenate %select_n3A_527, %select_n3A_524, %select_n3A_520 in 1 : vector<1024x128xf32>, vector<1024x128xf32>, vector<1024x128xf32> -> vector<1024x384xf32>
    %mul3A_529 = arith.constant 128 : i32
    %mul3A_530 = vector.broadcast %mul3A_529 : i32 to vector<1024x128xi32>
    %mul3A_531 = arith.muli %select_n3A_528, %mul3A_530 : vector<1024x128xi32>
    %add3A_532 = arith.addi %mul3A_531, %iota3A : vector<1024x128xi32>
    %mul3A_533 = arith.constant 128 : i32
    %mul3A_534 = vector.broadcast %mul3A_533 : i32 to vector<1024x128xi32>
    %mul3A_535 = arith.muli %select_n3A_526, %mul3A_534 : vector<1024x128xi32>
    %add3A_536 = arith.addi %mul3A_535, %iota3A : vector<1024x128xi32>
    %mul3A_537 = arith.constant 128 : i32
    %mul3A_538 = vector.broadcast %mul3A_537 : i32 to vector<1024x128xi32>
    %mul3A_539 = arith.muli %select_n3A_522, %mul3A_538 : vector<1024x128xi32>
    %add3A_540 = arith.addi %mul3A_539, %iota3A : vector<1024x128xi32>
    %concatenate3A_541 = tpu.concatenate %add3A_532, %add3A_536, %add3A_540 in 1 : vector<1024x128xi32>, vector<1024x128xi32>, vector<1024x128xi32> -> vector<1024x384xi32>
    %reduce_min3A = arith.constant dense<0x7F800000> : vector<1024xf32>
    %reduce_min3A_542 = vector.multi_reduction <minimumf>, %concatenate3A, %reduce_min3A [1] : vector<1024x384xf32> to vector<1024xf32>
    %broadcast_in_dim3A_543 = vector.shape_cast %reduce_min3A_542 : vector<1024xf32> to vector<1024x1xf32>
    %eq3A_544 = vector.broadcast %broadcast_in_dim3A_543 : vector<1024x1xf32> to vector<1024x384xf32>
    %eq3A_545 = arith.cmpf oeq, %concatenate3A, %eq3A_544 : vector<1024x384xf32>
    %jit3A = arith.constant 4096 : i32
    %broadcast_in_dim3A_546 = vector.broadcast %jit3A : i32 to vector<1024x384xi32>
    %select_n3A_547 = arith.select %eq3A_545, %concatenate3A_541, %broadcast_in_dim3A_546 : vector<1024x384xi1>, vector<1024x384xi32>
    %reduce_min3A_548 = arith.constant dense<2147483647> : vector<1024xi32>
    %reduce_min3A_549 = vector.multi_reduction <minsi>, %select_n3A_547, %reduce_min3A_548 [1] : vector<1024x384xi32> to vector<1024xi32>
    %broadcast_in_dim3A_550 = vector.shape_cast %reduce_min3A_549 : vector<1024xi32> to vector<1024x1xi32>
    %eq3A_551 = vector.broadcast %broadcast_in_dim3A_550 : vector<1024x1xi32> to vector<1024x384xi32>
    %eq3A_552 = arith.cmpi eq, %concatenate3A_541, %eq3A_551 : vector<1024x384xi32>
    %jit3A_553 = arith.constant 0x7F800000 : f32
    %broadcast_in_dim3A_554 = vector.broadcast %jit3A_553 : f32 to vector<1024x384xf32>
    %select_n3A_555 = arith.select %eq3A_552, %broadcast_in_dim3A_554, %concatenate3A : vector<1024x384xi1>, vector<1024x384xf32>
    %reduce_min3A_556 = arith.constant dense<0x7F800000> : vector<1024xf32>
    %reduce_min3A_557 = vector.multi_reduction <minimumf>, %select_n3A_555, %reduce_min3A_556 [1] : vector<1024x384xf32> to vector<1024xf32>
    %broadcast_in_dim3A_558 = vector.shape_cast %reduce_min3A_557 : vector<1024xf32> to vector<1024x1xf32>
    %eq3A_559 = vector.broadcast %broadcast_in_dim3A_558 : vector<1024x1xf32> to vector<1024x384xf32>
    %eq3A_560 = arith.cmpf oeq, %select_n3A_555, %eq3A_559 : vector<1024x384xf32>
    %jit3A_561 = arith.constant 4096 : i32
    %broadcast_in_dim3A_562 = vector.broadcast %jit3A_561 : i32 to vector<1024x384xi32>
    %select_n3A_563 = arith.select %eq3A_560, %concatenate3A_541, %broadcast_in_dim3A_562 : vector<1024x384xi1>, vector<1024x384xi32>
    %reduce_min3A_564 = arith.constant dense<2147483647> : vector<1024xi32>
    %reduce_min3A_565 = vector.multi_reduction <minsi>, %select_n3A_563, %reduce_min3A_564 [1] : vector<1024x384xi32> to vector<1024xi32>
    %broadcast_in_dim3A_566 = vector.shape_cast %reduce_min3A_565 : vector<1024xi32> to vector<1024x1xi32>
    %eq3A_567 = vector.broadcast %broadcast_in_dim3A_566 : vector<1024x1xi32> to vector<1024x384xi32>
    %eq3A_568 = arith.cmpi eq, %concatenate3A_541, %eq3A_567 : vector<1024x384xi32>
    %jit3A_569 = arith.constant 0x7F800000 : f32
    %broadcast_in_dim3A_570 = vector.broadcast %jit3A_569 : f32 to vector<1024x384xf32>
    %select_n3A_571 = arith.select %eq3A_568, %broadcast_in_dim3A_570, %select_n3A_555 : vector<1024x384xi1>, vector<1024x384xf32>
    %reduce_min3A_572 = arith.constant dense<0x7F800000> : vector<1024xf32>
    %reduce_min3A_573 = vector.multi_reduction <minimumf>, %select_n3A_571, %reduce_min3A_572 [1] : vector<1024x384xf32> to vector<1024xf32>
    %broadcast_in_dim3A_574 = vector.shape_cast %reduce_min3A_573 : vector<1024xf32> to vector<1024x1xf32>
    %eq3A_575 = vector.broadcast %broadcast_in_dim3A_574 : vector<1024x1xf32> to vector<1024x384xf32>
    %eq3A_576 = arith.cmpf oeq, %select_n3A_571, %eq3A_575 : vector<1024x384xf32>
    %jit3A_577 = arith.constant 4096 : i32
    %broadcast_in_dim3A_578 = vector.broadcast %jit3A_577 : i32 to vector<1024x384xi32>
    %select_n3A_579 = arith.select %eq3A_576, %concatenate3A_541, %broadcast_in_dim3A_578 : vector<1024x384xi1>, vector<1024x384xi32>
    %reduce_min3A_580 = arith.constant dense<2147483647> : vector<1024xi32>
    %reduce_min3A_581 = vector.multi_reduction <minsi>, %select_n3A_579, %reduce_min3A_580 [1] : vector<1024x384xi32> to vector<1024xi32>
    %broadcast_in_dim3A_582 = vector.shape_cast %reduce_min3A_581 : vector<1024xi32> to vector<1024x1xi32>
    %eq3A_583 = vector.broadcast %broadcast_in_dim3A_582 : vector<1024x1xi32> to vector<1024x384xi32>
    %eq3A_584 = arith.cmpi eq, %concatenate3A_541, %eq3A_583 : vector<1024x384xi32>
    %jit3A_585 = arith.constant 0x7F800000 : f32
    %broadcast_in_dim3A_586 = vector.broadcast %jit3A_585 : f32 to vector<1024x384xf32>
    %select_n3A_587 = arith.select %eq3A_584, %broadcast_in_dim3A_586, %select_n3A_571 : vector<1024x384xi1>, vector<1024x384xf32>
    %reduce_min3A_588 = arith.constant dense<0x7F800000> : vector<1024xf32>
    %reduce_min3A_589 = vector.multi_reduction <minimumf>, %select_n3A_587, %reduce_min3A_588 [1] : vector<1024x384xf32> to vector<1024xf32>
    %broadcast_in_dim3A_590 = vector.shape_cast %reduce_min3A_589 : vector<1024xf32> to vector<1024x1xf32>
    %eq3A_591 = vector.broadcast %broadcast_in_dim3A_590 : vector<1024x1xf32> to vector<1024x384xf32>
    %eq3A_592 = arith.cmpf oeq, %select_n3A_587, %eq3A_591 : vector<1024x384xf32>
    %jit3A_593 = arith.constant 4096 : i32
    %broadcast_in_dim3A_594 = vector.broadcast %jit3A_593 : i32 to vector<1024x384xi32>
    %select_n3A_595 = arith.select %eq3A_592, %concatenate3A_541, %broadcast_in_dim3A_594 : vector<1024x384xi1>, vector<1024x384xi32>
    %reduce_min3A_596 = arith.constant dense<2147483647> : vector<1024xi32>
    %reduce_min3A_597 = vector.multi_reduction <minsi>, %select_n3A_595, %reduce_min3A_596 [1] : vector<1024x384xi32> to vector<1024xi32>
    %broadcast_in_dim3A_598 = vector.shape_cast %reduce_min3A_597 : vector<1024xi32> to vector<1024x1xi32>
    %eq3A_599 = vector.broadcast %broadcast_in_dim3A_598 : vector<1024x1xi32> to vector<1024x384xi32>
    %eq3A_600 = arith.cmpi eq, %concatenate3A_541, %eq3A_599 : vector<1024x384xi32>
    %jit3A_601 = arith.constant 0x7F800000 : f32
    %broadcast_in_dim3A_602 = vector.broadcast %jit3A_601 : f32 to vector<1024x384xf32>
    %select_n3A_603 = arith.select %eq3A_600, %broadcast_in_dim3A_602, %select_n3A_587 : vector<1024x384xi1>, vector<1024x384xf32>
    %reduce_min3A_604 = arith.constant dense<0x7F800000> : vector<1024xf32>
    %reduce_min3A_605 = vector.multi_reduction <minimumf>, %select_n3A_603, %reduce_min3A_604 [1] : vector<1024x384xf32> to vector<1024xf32>
    %broadcast_in_dim3A_606 = vector.shape_cast %reduce_min3A_605 : vector<1024xf32> to vector<1024x1xf32>
    %eq3A_607 = vector.broadcast %broadcast_in_dim3A_606 : vector<1024x1xf32> to vector<1024x384xf32>
    %eq3A_608 = arith.cmpf oeq, %select_n3A_603, %eq3A_607 : vector<1024x384xf32>
    %jit3A_609 = arith.constant 4096 : i32
    %broadcast_in_dim3A_610 = vector.broadcast %jit3A_609 : i32 to vector<1024x384xi32>
    %select_n3A_611 = arith.select %eq3A_608, %concatenate3A_541, %broadcast_in_dim3A_610 : vector<1024x384xi1>, vector<1024x384xi32>
    %reduce_min3A_612 = arith.constant dense<2147483647> : vector<1024xi32>
    %reduce_min3A_613 = vector.multi_reduction <minsi>, %select_n3A_611, %reduce_min3A_612 [1] : vector<1024x384xi32> to vector<1024xi32>
    %broadcast_in_dim3A_614 = vector.shape_cast %reduce_min3A_613 : vector<1024xi32> to vector<1024x1xi32>
    %add3A_615 = arith.addf %broadcast_in_dim3A_558, %broadcast_in_dim3A : vector<1024x1xf32>
    %max3A = arith.constant 1.000000e-24 : f32
    %max3A_616 = vector.broadcast %max3A : f32 to vector<1024x1xf32>
    %max3A_617 = arith.maximumf %add3A_615, %max3A_616 : vector<1024x1xf32>
    %sqrt3A = math.sqrt %max3A_617 : vector<1024x1xf32>
    %add3A_618 = arith.constant 1.000000e-07 : f32
    %add3A_619 = vector.broadcast %add3A_618 : f32 to vector<1024x1xf32>
    %add3A_620 = arith.addf %sqrt3A, %add3A_619 : vector<1024x1xf32>
    %log3A = math.log %add3A_620 : vector<1024x1xf32>
    %mul3A_621 = arith.constant 0.434294492 : f32
    %mul3A_622 = vector.broadcast %mul3A_621 : f32 to vector<1024x1xf32>
    %mul3A_623 = arith.mulf %log3A, %mul3A_622 : vector<1024x1xf32>
    %add3A_624 = arith.addf %broadcast_in_dim3A_574, %broadcast_in_dim3A : vector<1024x1xf32>
    %max3A_625 = arith.constant 1.000000e-24 : f32
    %max3A_626 = vector.broadcast %max3A_625 : f32 to vector<1024x1xf32>
    %max3A_627 = arith.maximumf %add3A_624, %max3A_626 : vector<1024x1xf32>
    %sqrt3A_628 = math.sqrt %max3A_627 : vector<1024x1xf32>
    %add3A_629 = arith.constant 1.000000e-07 : f32
    %add3A_630 = vector.broadcast %add3A_629 : f32 to vector<1024x1xf32>
    %add3A_631 = arith.addf %sqrt3A_628, %add3A_630 : vector<1024x1xf32>
    %log3A_632 = math.log %add3A_631 : vector<1024x1xf32>
    %mul3A_633 = arith.constant 0.434294492 : f32
    %mul3A_634 = vector.broadcast %mul3A_633 : f32 to vector<1024x1xf32>
    %mul3A_635 = arith.mulf %log3A_632, %mul3A_634 : vector<1024x1xf32>
    %add3A_636 = arith.addf %broadcast_in_dim3A_590, %broadcast_in_dim3A : vector<1024x1xf32>
    %max3A_637 = arith.constant 1.000000e-24 : f32
    %max3A_638 = vector.broadcast %max3A_637 : f32 to vector<1024x1xf32>
    %max3A_639 = arith.maximumf %add3A_636, %max3A_638 : vector<1024x1xf32>
    %sqrt3A_640 = math.sqrt %max3A_639 : vector<1024x1xf32>
    %add3A_641 = arith.constant 1.000000e-07 : f32
    %add3A_642 = vector.broadcast %add3A_641 : f32 to vector<1024x1xf32>
    %add3A_643 = arith.addf %sqrt3A_640, %add3A_642 : vector<1024x1xf32>
    %log3A_644 = math.log %add3A_643 : vector<1024x1xf32>
    %mul3A_645 = arith.constant 0.434294492 : f32
    %mul3A_646 = vector.broadcast %mul3A_645 : f32 to vector<1024x1xf32>
    %mul3A_647 = arith.mulf %log3A_644, %mul3A_646 : vector<1024x1xf32>
    %add3A_648 = arith.addf %broadcast_in_dim3A_606, %broadcast_in_dim3A : vector<1024x1xf32>
    %max3A_649 = arith.constant 1.000000e-24 : f32
    %max3A_650 = vector.broadcast %max3A_649 : f32 to vector<1024x1xf32>
    %max3A_651 = arith.maximumf %add3A_648, %max3A_650 : vector<1024x1xf32>
    %sqrt3A_652 = math.sqrt %max3A_651 : vector<1024x1xf32>
    %add3A_653 = arith.constant 1.000000e-07 : f32
    %add3A_654 = vector.broadcast %add3A_653 : f32 to vector<1024x1xf32>
    %add3A_655 = arith.addf %sqrt3A_652, %add3A_654 : vector<1024x1xf32>
    %log3A_656 = math.log %add3A_655 : vector<1024x1xf32>
    %mul3A_657 = arith.constant 0.434294492 : f32
    %mul3A_658 = vector.broadcast %mul3A_657 : f32 to vector<1024x1xf32>
    %mul3A_659 = arith.mulf %log3A_656, %mul3A_658 : vector<1024x1xf32>
    %sub3A = arith.subf %mul3A_623, %mul3A_659 : vector<1024x1xf32>
    %sub3A_660 = arith.subf %mul3A_635, %mul3A_659 : vector<1024x1xf32>
    %add3A_661 = arith.addf %sub3A, %sub3A_660 : vector<1024x1xf32>
    %sub3A_662 = arith.subf %mul3A_647, %mul3A_659 : vector<1024x1xf32>
    %add3A_663 = arith.addf %add3A_661, %sub3A_662 : vector<1024x1xf32>
    %mul3A_664 = arith.constant 2.000000e-01 : f32
    %mul3A_665 = vector.broadcast %mul3A_664 : f32 to vector<1024x1xf32>
    %mul3A_666 = arith.mulf %mul3A_665, %add3A_663 : vector<1024x1xf32>
    %swap3A = arith.constant 0 : index
    %swap3A_667 = arith.constant 0 : index
    %swap3A_668 = vector.load %arg3[%swap3A, %swap3A_667] : memref<1024x1xf32, #tpu.memory_space<vmem>>, vector<1024x1xf32>
    tpu.vector_store %arg3[%swap3A, %swap3A_667], %mul3A_666 {strides = array<i32>} : memref<1024x1xf32, #tpu.memory_space<vmem>>, vector<1024x1xf32>,
    %concatenate3A_669 = tpu.concatenate %broadcast_in_dim3A_566, %broadcast_in_dim3A_582, %broadcast_in_dim3A_598, %broadcast_in_dim3A_614 in 1 : vector<1024x1xi32>, vector<1024x1xi32>, vector<1024x1xi32>, vector<1024x1xi32> -> vector<1024x4xi32>
    %swap3A_670 = arith.constant 0 : index
    %swap3A_671 = arith.constant 0 : index
    %swap3A_672 = vector.load %arg4[%swap3A_670, %swap3A_671] : memref<1024x4xi32, #tpu.memory_space<vmem>>, vector<1024x4xi32>
    tpu.vector_store %arg4[%swap3A_670, %swap3A_671], %concatenate3A_669 {strides = array<i32>} : memref<1024x4xi32, #tpu.memory_space<vmem>>, vector<1024x4xi32>,
    return
  }
  func.func @transform_0(%arg0: i32) -> (i32, i32) {
    %c0_i32 = arith.constant 0 : i32
    %c0_i32_0 = arith.constant 0 : i32
    return %arg0, %c0_i32 : i32, i32
  }
  func.func @transform_1(%arg0: i32) -> (i32, i32) {
    %c0_i32 = arith.constant 0 : i32
    %c0_i32_0 = arith.constant 0 : i32
    %c0_i32_1 = arith.constant 0 : i32
    return %c0_i32, %c0_i32_0 : i32, i32
  }
  func.func @transform_2(%arg0: i32) -> (i32, i32) {
    %c0_i32 = arith.constant 0 : i32
    %c0_i32_0 = arith.constant 0 : i32
    return %arg0, %c0_i32 : i32, i32
  }
  func.func @transform_3(%arg0: i32) -> (i32, i32) {
    %c0_i32 = arith.constant 0 : i32
    %c0_i32_0 = arith.constant 0 : i32
    return %arg0, %c0_i32 : i32, i32
  }
}

</mosaic_0001>

<sc_bundles>
// kernel: kernel.4.cloned.1.call-start
scs
__scs_entry_jumppad:
0x0: {  	(pc) =	sbr.rel $0x88, $3  }
0x1: {  	(tag) =	ssettag $0x0;
	lr =	simm.s32 $0x1  }
0x2: {  	[smem:$0x3F9F] =	sst lr;
	_ =	strace $0xD0000000  }
0x3: {  	_ = 	snop  }
0x4: {  	_ = 	snop  }
0x5: {  	_ = 	snop  }
0x6: {  	_ = 	snop  }
0x7: {  	_ = 	snop  }
__scs_overlays_trampoline_lowered:
0x8: {  	[smem:$0x3FAE] =	sst s0  }
0x9: {  	[smem:$0x3FAF] =	sst s1  }
0xa: {  	[smem:$0x3FB0] =	sst s2  }
0xb: {  	[smem:$0x3FB1] =	sst s3  }
0xc: {  	[smem:$0x3FB2] =	sst s4  }
0xd: {  	[smem:$0x3FB3] =	sst s5  }
0xe: {  	[smem:$0x3FB4] =	sst s6  }
0xf: {  	[smem:$0x3FB5] =	sst s7  }
0x10: {  	[smem:$0x3FB6] =	sst s8  }
0x11: {  	[smem:$0x3FB7] =	sst s9;
	s0 =	simm.s32 @!p0 $0x0  }
0x12: {  	s1 =	sld [smem:$0x3F9D];
	s0 =	simm.s32 @p0 $0x1  }
0x13: {  	[smem:$0x3FB8] =	sst s0;
	s0 =	simm.s32 @!p1 $0x0  }
0x14: {  	s2 =	sld [smem:$0x3F9C];
	s0 =	simm.s32 @p1 $0x1  }
0x15: {  	[smem:$0x3FB9] =	sst s0;
	s0 =	simm.s32 @!p2 $0x0  }
0x16: {  	s3 =	sld [smem:$0x3FDB];
	s0 =	simm.s32 @p2 $0x1  }
0x17: {  	s4 =	simm.s32 $0x1BF5;
	[smem:$0x3FBB] =	sst s0  }
0x18: {  	s0 =	sld [smem:$0x3F9E];
	_ =	swait.ge [sflag:s4], $0x0  }
0x19: {  	s7 =	sld [smem:$0x3F9F]  }
0x1a: {  	s8 =	sadd.s32 $0xFFFFE003, lr  }
0x1b: {  	s9 =	sadd.s32 $0xFFFFFEF7, lr;
	s5 =	simm.s32 $0xFFFFFFFF;
	p2 =	slt.u32 s8, $0xFFFFF086  }
0x1c: {  	p1 =	slt.u32 s9, $0xF7A;
	s5 =	simm.s32 @!p2 $0x0  }
0x1d: {  	s5 =	simm.s32 @p1 $0x1;
	p0 =	seq.s32 s7, s2  }
0x1e: {  	s7 =	smul.u32 @!p0 $0xF7A, s2;
	p2 =	seq.s32 @!p0 s5, $0x0  }
0x1f: {  	s9 =	smul.u32 $0xF7A, s1;
	s8 =	simm.s32 @!p0 $0x1BF5;
	p2 =	por !p2, p0  }
0x20: {  	[sflag:s8] =	ssyncset.s32 @!p0 $0xFFFFF086;
	s6 =	sadd.s32 @!p0 s3, s7;
	s7 =	simm.s32 @!p0 $0x108  }
0x21: {  	s3 =	sadd.s32 s3, s9;
	s6 =	sadd.s32 @!p0 $0x88, s6;
	s7 =	simm.s32 @p2 $0x1082  }
0x22: {  	[simem:s7], [sflag:s8] =	dma.local @!p0 [hbm:s6], $0xF7A  }
0x23: {  	s9 =	sor.u32 $0xD0000000, s2;
	s6 =	simm.s32 $0x108;
	_ =	swait.ge @!p0 [sflag:s8], $0x0  }
0x24: {  	s3 =	sadd.s32 $0x88, s3;
	s6 =	simm.s32 @!p1 $0x1082;
	[sflag:s4] =	ssyncset.s32 $0xFFFFF086  }
0x25: {  	[simem:s6], [sflag:s4] =	dma.local [hbm:s3], $0xF7A  }
0x26: {  	[smem:$0x3F9F] =	sst s1;
	(tag) =	ssettag s2;
	_ =	strace s9  }
0x27: {  	s1 =	sld [smem:$0x3FAF]  }
0x28: {  	s2 =	sld [smem:$0x3FB0]  }
0x29: {  	s4 =	sld [smem:$0x3FB2]  }
0x2a: {  	p0 =	seq.s32 s5, $0x0;
	s5 =	sld [smem:$0x3FB3]  }
0x2b: {  	s6 =	sld [smem:$0x3FB4]  }
0x2c: {  	s7 =	sld [smem:$0x3FB5]  }
0x2d: {  	s3 =	simm.s32 $0x108;
	s8 =	sld [smem:$0x3FB6]  }
0x2e: {  	s3 =	simm.s32 @!p0 $0x1082;
	s9 =	sld [smem:$0x3FB7]  }
0x2f: {  	lr =	sadd.s32 s0, s3;
	s0 =	sld [smem:$0x3FAE]  }
0x30: {  	s3 =	sld [smem:$0x3FB1]  }
0x31: {  	[smem:$0x3FBA] =	sst s10  }
0x32: {  	s10 =	sld [smem:$0x3FB8];
	_ =	sdelay $0x3  }
0x33: {  	p0 =	seq.s32 s10, $0x1;
	s10 =	sld [smem:$0x3FBA];
	_ =	sdelay $0x3  }
0x34: {  	[smem:$0x3FBA] =	sst s10  }
0x35: {  	s10 =	sld [smem:$0x3FB9];
	_ =	sdelay $0x3  }
0x36: {  	p1 =	seq.s32 s10, $0x1;
	s10 =	sld [smem:$0x3FBA];
	_ =	sdelay $0x3  }
0x37: {  	[smem:$0x3FBA] =	sst s10  }
0x38: {  	s10 =	sld [smem:$0x3FBB]  }
0x39: {  	_ = 	snop;
	(pc) =	sbr.ind lr, $3  }
0x3a: {  	_ = 	snop  }
0x3b: {  	_ = 	snop  }
0x3c: {  	p2 =	seq.s32 s10, $0x1;
	s10 =	sld [smem:$0x3FBA]  }
0x3d: {  	_ =	shalt  }
0x3e: {  	_ =	shalt  }
0x3f: {  	_ =	shalt  }
0x40: {  	_ =	shalt  }
0x41: {  	_ =	shalt  }
0x42: {  	_ =	shalt  }
0x43: {  	_ =	shalt  }
0x44: {  	_ =	shalt  }
0x45: {  	_ =	shalt  }
0x46: {  	_ =	shalt  }
0x47: {  	_ =	shalt  }
0x48: {  	_ =	shalt  }
0x49: {  	_ =	shalt  }
0x4a: {  	_ =	shalt  }
0x4b: {  	_ =	shalt  }
0x4c: {  	_ =	shalt  }
0x4d: {  	_ =	shalt  }
0x4e: {  	_ =	shalt  }
0x4f: {  	_ =	shalt  }
0x50: {  	_ =	shalt  }
0x51: {  	_ =	shalt  }
0x52: {  	_ =	shalt  }
0x53: {  	_ =	shalt  }
0x54: {  	_ =	shalt  }
0x55: {  	_ =	shalt  }
0x56: {  	_ =	shalt  }
0x57: {  	_ =	shalt  }
0x58: {  	_ =	shalt  }
0x59: {  	_ =	shalt  }
0x5a: {  	_ =	shalt  }
0x5b: {  	_ =	shalt  }
0x5c: {  	_ =	shalt  }
0x5d: {  	_ =	shalt  }
0x5e: {  	_ =	shalt  }
0x5f: {  	_ =	shalt  }
0x60: {  	_ =	shalt  }
0x61: {  	_ =	shalt  }
0x62: {  	_ =	shalt  }
0x63: {  	_ =	shalt  }
0x64: {  	_ =	shalt  }
0x65: {  	_ =	shalt  }
0x66: {  	_ =	shalt  }
0x67: {  	_ =	shalt  }
0x68: {  	_ =	shalt  }
0x69: {  	_ =	shalt  }
0x6a: {  	_ =	shalt  }
0x6b: {  	_ =	shalt  }
0x6c: {  	_ =	shalt  }
0x6d: {  	_ =	shalt  }
0x6e: {  	_ =	shalt  }
0x6f: {  	_ =	shalt  }
0x70: {  	_ =	shalt  }
0x71: {  	_ =	shalt  }
0x72: {  	_ =	shalt  }
0x73: {  	_ =	shalt  }
0x74: {  	_ =	shalt  }
0x75: {  	_ =	shalt  }
0x76: {  	_ =	shalt  }
0x77: {  	_ =	shalt  }
0x78: {  	_ =	shalt  }
0x79: {  	_ =	shalt  }
0x7a: {  	_ =	shalt  }
0x7b: {  	_ =	shalt  }
0x7c: {  	_ =	shalt  }
0x7d: {  	_ =	shalt  }
0x7e: {  	_ =	shalt  }
0x7f: {  	_ =	shalt  }
0x80: {  	_ =	shalt  }
0x81: {  	_ =	shalt  }
0x82: {  	_ =	shalt  }
0x83: {  	_ =	shalt  }
0x84: {  	_ =	shalt  }
0x85: {  	_ =	shalt  }
0x86: {  	_ =	shalt  }
0x87: {  	_ =	shalt  }
.Lfunc_end0:
.L_simem_size_0:
called_computation_lowered:
.L_overlay_start_0:
0x88: {  	s2 =	sld [smem:$0x3FD9]  }
0x89: {  	s3 =	sld [smem:$0x3FFE];
	_ =	sdelay $0x1  }
0x8a: {  	s1 =	srdreg.scid  }
0x8b: {  	s0 =	sand.u32 $0x1, s1  }
0x8c: {  	s17 =	sshll.u32 s0, $0xA;
	s2 =	sadd.s32 s3, s2  }
0x8d: {  	s2 =	sadd.s32 s2, s17  }
0x8e: {  	[smem:$0x3FC6] =	sst s2  }
0x8f: {  	_ = 	snop  }
0x90: {  	s2 =	sld [smem:$0x3FC8];
	(tm) =	ssettm $0x1  }
0x91: {  	s18 =	sld [smem:$0x3FFB];
	_ =	sdelay $0x3  }
0x92: {  	_ =	strace s18  }
0x93: {  	s3 =	sld [smem:$0x3FFC];
	_ =	sdelay $0x3  }
0x94: {  	_ =	strace s3  }
0x95: {  	s3 =	sld [smem:$0x3FFD];
	_ =	sdelay $0x3  }
0x96: {  	_ =	strace s3  }
0x97: {  	_ =	strace $0x8FFFFFFF  }
0x98: {  	s19 =	sld [smem:$0x3FDB];
	_ =	sdelay $0x1  }
0x99: {  	s4 =	simm.s32 $_scs_section_size  }
0x9a: {  	s5 =	simm.s32 $_size__tile_overlayer_lowered;
	s6 =	simm.s32 $_tile_overlayer_lowered  }
0x9b: {  	s22 =	simm.s32 $0x1BFF;
	s21 =	sshll.u32 s6, $0x1;
	s3 =	sadd.s32 s4, s19  }
0x9c: {  	s7 =	simm.s32 $0x0;
	s20 =	sshll.u32 s5, $0x1;
	s5 =	sadd.s32 s21, s3  }
0x9d: {  	[timem:s7], [sflag:s22] =	dma.local [hbm:s5], s20  }
0x9e: {  	_ =	swait.ge [sflag:s22], s20  }
0x9f: {  	s4 =	ssub.s32 $0x0, s20;
	[sflag:s22] =	ssyncset.done $0x0  }
0xa0: {  	[sflag:s22] =	ssyncadd.s32 s4;
	_ =	sdelay $0x1  }
0xa1: {  	s23 =	simm.s32 $0x1B8B  }
0xa2: {  	_ =	swait.ge [sflag:s23], $0x1  }
0xa3: {  	[sflag:s23] =	ssyncset.done $0x0  }
0xa4: {  	s25 =	simm.s32 $0x1B8E;
	s24 =	sld [smem:$0x3FFE];
	[sflag:s23] =	ssyncadd.s32 $0xFFFFFFFF  }
0xa5: {  	s26 =	simm.s32 $execute0_lowered;
	[smem:$0x3FD2] =	sst s25  }
0xa6: {  	s5 =	sshll.u32 s26, $0x1;
	_ =	strace $0x80000046;
	[dreg:$0x1] =	wrdreg $0xFFFFFFFF  }
0xa7: {  	s28 =	simm.s32 $_size_execute0_lowered;
	s3 =	sadd.s32 s3, s5;
	[dreg:$0x0] =	wrdreg $0x0  }
0xa8: {  	s5 =	sshll.u32 s28, $0x1;
	[dreg:$0x2] =	wrdreg s3  }
0xa9: {  	[dreg:$0x3] =	wrdreg s5  }
0xaa: {  	[dreg:$0x4] =	wrdreg $0xC0  }
0xab: {  	_ =	task [dreg:s7], $0x5FFFF  }
0xac: {  	[dreg:$0x1] =	wrdreg $0xFFFFFFFF  }
0xad: {  	[dreg:$0x0] =	wrdreg $0x60  }
0xae: {  	[dreg:$0x2] =	wrdreg s24  }
0xaf: {  	[dreg:$0x3] =	wrdreg s2  }
0xb0: {  	[dreg:$0x4] =	wrdreg $0x9  }
0xb1: {  	_ =	task.clear_ibuf [dreg:s7], $0x5FFFF;
	_ =	strace $0x90000046  }
0xb2: {  	s29 =	simm.s32 $0x9;
	_ =	strace $0x80000048  }
0xb3: {  	_ =	swait.ge [sflag:s29], $0x1  }
0xb4: {  	[sflag:s29] =	ssyncadd.s32 $0xFFFFFFFF  }
0xb5: {  	_ =	strace $0x90000048  }
0xb6: {  	_ =	sfence  }
0xb7: {  	s30 =	sld [smem:$0x0];
	_ =	sdelay $0x2  }
0xb8: {  	s31 =	sshll.u32 s1, $0xD;
	s1 =	sshrl.u32 s1, $0x2  }
0xb9: {  	s3 =	sand.u32 $0x4000, s31;
	s1 =	sadd.s32 s1, s30  }
0xba: {  	s0 =	sor.u32 s3, s0;
	s1 =	sshll.u32 s1, $0x11  }
0xbb: {  	s0 =	sor.u32 s1, s0  }
0xbc: {  	s0 =	sadd.s32 $0x8F2B, s0  }
0xbd: {  	[sflag:s0] =	ssyncadd.remote.s32 $0x1  }
0xbe: {  	_ =	sfence.sel $0xFFFF  }
0xbf: {  	[dreg:$0x0] =	wrdreg $0xFFFFFFFF;
	(pc) =	sbr.abs _section_cstart, $3  }
0xc0: {  	[dreg:$0x1] =	wrdreg $0xFFFFFFFF  }
0xc1: {  	_ =	task.clear_ibuf [dreg:s7], $0x2FFFF;
	_ =	strace $0x9FFFFFFF  }
0xc2: {  	(tm) =	ssettm $0x7FFFFFFF  }
0xc3: {  	_ =	shalt  }
tec
execute0_lowered:
.L_overlay_start_1:
0x0: {  	(tag) =	ssettag $0x1  }
0x1: {  	s0 =	srdreg.scid;
	s2 =	stileid.u32  }
0x2: {  	s1 =	rddreg [dreg:$0x0];
	s13 =	simm.s32 $0x3;
	s14 =	simm.s32 $0x2  }
0x3: {  	s15 =	simm.s32 $0x4;
	s17 =	simm.s32 $0xA00;
	s18 =	simm.s32 $0x1200  }
0x4: {  	s19 =	simm.s32 $0x1A00;
	s20 =	simm.s32 $0x2200;
	s21 =	simm.s32 $0x2A00  }
0x5: {  	s28 =	simm.s32 $0x5200;
	s29 =	simm.s32 $0x5A00;
	s30 =	simm.s32 $0x6200  }
0x6: {  	s31 =	simm.s32 $0x6A00;
	s12 =	simm.s32 $0x8200;
	s7 =	simm.s32 $0x8A00  }
0x7: {  	s8 =	simm.s32 $0x9200;
	s9 =	simm.s32 $0x9A00;
	s0 =	sand.u32 $0x1, s0  }
0x8: {  	s10 =	simm.s32 $0xA200;
	s3 =	sshll.u32 s2, $0xA;
	s4 =	sshll.u32 s0, $0x9  }
0x9: {  	s11 =	simm.s32 $0xAA00;
	s2 =	rddreg [dreg:$0x1];
	s4 =	sor.u32 s4, s3  }
0xa: {  	s0 =	ssub.s32 $0x2, s0;
	s3 =	simm.s32 $0x0;
	s5 =	sshrl.u32 s4, $0x3  }
0xb: {  	s25 =	sshrl.u32 s0, $0x1;
	s4 =	sshll.u32 s4, $0x5;
	s5 =	sadd.s32 s5, s1  }
0xc: {  	[smem:$0x7FF] =	sst s3;
	s1 =	sadd.s32 s4, s1;
	s22 =	sadd.s32 $0x800, s5  }
0xd: {  	_ =	strace $0x80000047;
	s23 =	sadd.s32 $0x1000, s1;
	[dreg:$0x3] =	wrdreg s22  }
0xe: {  	s0 =	ssub.s32 s0, s25;
	s24 =	sadd.s32 $0x2000, s1;
	[dreg:$0x4] =	wrdreg s23  }
0xf: {  	s25 =	simm.s32 $0x4200;
	s26 =	sadd.s32 $0x3000, s1;
	[dreg:$0x5] =	wrdreg s24  }
0x10: {  	v2 =	vlaneseq.u32;
	s4 =	smax.u32 s0, $0x1;
	s1 =	sadd.s32 $0x4000, s1;
	[dreg:$0x6] =	wrdreg s26  }
0x11: {  	vm0 =	vmmov $0xffff;
	v1 =	vshrl.u32 v2, $0x3;
	s5 =	simm.s32 $0x1;
	[dreg:$0x7] =	wrdreg s1;
	s23 =	simm.s32 $0x3200  }
0x12: {  	v0 =	vand.u32 $0x7, v2;
	v2 =	vor.u32 $0x8, v2;
	v1 =	vmul.u32 $0x8, v1;
	s24 =	simm.s32 $0x3A00;
	s26 =	simm.s32 $0x4A00;
	s1 =	simm.s32 $0x7200  }
.LBB2_1:
0x13: {  	s16 =	rddreg [dreg:$0x3];
	s0 =	simm.s32 $0x5  }
0x14: {  	[tilespmem:s3], [sflag:$0x5] =	stream.linear.gather [hbm4b:s16+s3], $0x200, $0x38;
	[tilespmem:$0x10200] =	vst v63  }
0x15: {  	_ =	swait.ge [sflag:s0], $0x200  }
0x16: {  	[sflag:s0] =	ssyncset.done $0x0  }
0x17: {  	[sflag:s0] =	ssyncadd.s32 $0xFFFFFE00  }
0x18: {  	v3 =	vld [tilespmem:$0x0];
	_ =	sdelay $0x4  }
0x19: {  	v4 =	vshll.u32 v3, $0x1  }
0x1a: {  	v3 =	vand.u32 $0x7, v3;
	v4 =	vand.u32 $0xFFFFFFF0, v4  }
0x1b: {  	v3 =	vor.u32 v3, v4  }
0x1c: {  	v4 =	vperm.xlane v3, v0;
	_ =	sdelay $0x1  }
0x1d: {  	v3 =	vperm.xlane v3, v2;
	v4 =	vadd.s32 v1, v4;
	_ =	sdelay $0x1  }
0x1e: {  	v3 =	vadd.s32 v1, v3;
	_ =	sdelay $0x1  }
0x1f: {  	s16 =	simm.s32 $0x200  }
0x20: {  	[tilespmem:s16], [sflag:$0x1] =	stream.indirect_vreg.gather [hbm4b:s2+s3], $0x80, v4, vm0, $0xb8;
	[tilespmem:$0x10200] =	vst v63  }
0x21: {  	_ = 	snop  }
0x22: {  	[tilespmem:s17], [sflag:$0x1] =	stream.indirect_vreg.gather [hbm4b:s2+s3], $0x80, v3, vm0, $0xb8;
	[tilespmem:$0x10200] =	vst v63  }
0x23: {  	v3 =	vld [tilespmem:$0x10];
	_ =	sdelay $0x4  }
0x24: {  	v33 =	vshll.u32 v3, $0x1  }
0x25: {  	v3 =	vand.u32 $0x7, v3;
	v4 =	vand.u32 $0xFFFFFFF0, v33  }
0x26: {  	v3 =	vor.u32 v3, v4  }
0x27: {  	v4 =	vperm.xlane v3, v0;
	_ =	sdelay $0x1  }
0x28: {  	v3 =	vperm.xlane v3, v2;
	v4 =	vadd.s32 v1, v4;
	_ =	sdelay $0x1  }
0x29: {  	v3 =	vadd.s32 v1, v3;
	_ =	sdelay $0x2  }
0x2a: {  	[tilespmem:s18], [sflag:$0x1] =	stream.indirect_vreg.gather [hbm4b:s2+s3], $0x80, v4, vm0, $0xb8;
	[tilespmem:$0x10200] =	vst v63  }
0x2b: {  	_ = 	snop  }
0x2c: {  	[tilespmem:s19], [sflag:$0x1] =	stream.indirect_vreg.gather [hbm4b:s2+s3], $0x80, v3, vm0, $0xb8;
	[tilespmem:$0x10200] =	vst v63  }
0x2d: {  	v3 =	vld [tilespmem:$0x20];
	_ =	sdelay $0x4  }
0x2e: {  	v34 =	vshll.u32 v3, $0x1  }
0x2f: {  	v3 =	vand.u32 $0x7, v3;
	v4 =	vand.u32 $0xFFFFFFF0, v34  }
0x30: {  	v3 =	vor.u32 v3, v4  }
0x31: {  	v4 =	vperm.xlane v3, v0;
	_ =	sdelay $0x1  }
0x32: {  	v3 =	vperm.xlane v3, v2;
	v4 =	vadd.s32 v1, v4;
	_ =	sdelay $0x1  }
0x33: {  	v3 =	vadd.s32 v1, v3;
	_ =	sdelay $0x2  }
0x34: {  	[tilespmem:s20], [sflag:$0x1] =	stream.indirect_vreg.gather [hbm4b:s2+s3], $0x80, v4, vm0, $0xb8;
	[tilespmem:$0x10200] =	vst v63  }
0x35: {  	_ = 	snop  }
0x36: {  	[tilespmem:s21], [sflag:$0x1] =	stream.indirect_vreg.gather [hbm4b:s2+s3], $0x80, v3, vm0, $0xb8;
	[tilespmem:$0x10200] =	vst v63  }
0x37: {  	v3 =	vld [tilespmem:$0x30];
	_ =	sdelay $0x4  }
0x38: {  	v35 =	vshll.u32 v3, $0x1  }
0x39: {  	v3 =	vand.u32 $0x7, v3;
	v4 =	vand.u32 $0xFFFFFFF0, v35  }
0x3a: {  	v3 =	vor.u32 v3, v4  }
0x3b: {  	v4 =	vperm.xlane v3, v0;
	_ =	sdelay $0x1  }
0x3c: {  	v3 =	vperm.xlane v3, v2;
	v4 =	vadd.s32 v1, v4;
	_ =	sdelay $0x1  }
0x3d: {  	v3 =	vadd.s32 v1, v3;
	_ =	sdelay $0x2  }
0x3e: {  	[tilespmem:s23], [sflag:$0x1] =	stream.indirect_vreg.gather [hbm4b:s2+s3], $0x80, v4, vm0, $0xb8;
	[tilespmem:$0x10200] =	vst v63  }
0x3f: {  	_ = 	snop  }
0x40: {  	[tilespmem:s24], [sflag:$0x1] =	stream.indirect_vreg.gather [hbm4b:s2+s3], $0x80, v3, vm0, $0xb8;
	[tilespmem:$0x10200] =	vst v63  }
0x41: {  	v3 =	vld [tilespmem:$0x40];
	_ =	sdelay $0x4  }
0x42: {  	v36 =	vshll.u32 v3, $0x1  }
0x43: {  	v3 =	vand.u32 $0x7, v3;
	v4 =	vand.u32 $0xFFFFFFF0, v36  }
0x44: {  	v3 =	vor.u32 v3, v4  }
0x45: {  	v4 =	vperm.xlane v3, v0;
	_ =	sdelay $0x1  }
0x46: {  	v3 =	vperm.xlane v3, v2;
	v4 =	vadd.s32 v1, v4;
	_ =	sdelay $0x1  }
0x47: {  	v3 =	vadd.s32 v1, v3;
	_ =	sdelay $0x2  }
0x48: {  	[tilespmem:s25], [sflag:$0x1] =	stream.indirect_vreg.gather [hbm4b:s2+s3], $0x80, v4, vm0, $0xb8;
	[tilespmem:$0x10200] =	vst v63  }
0x49: {  	_ = 	snop  }
0x4a: {  	[tilespmem:s26], [sflag:$0x1] =	stream.indirect_vreg.gather [hbm4b:s2+s3], $0x80, v3, vm0, $0xb8;
	[tilespmem:$0x10200] =	vst v63  }
0x4b: {  	v3 =	vld [tilespmem:$0x50];
	_ =	sdelay $0x4  }
0x4c: {  	v37 =	vshll.u32 v3, $0x1  }
0x4d: {  	v3 =	vand.u32 $0x7, v3;
	v4 =	vand.u32 $0xFFFFFFF0, v37  }
0x4e: {  	v3 =	vor.u32 v3, v4  }
0x4f: {  	v4 =	vperm.xlane v3, v0;
	_ =	sdelay $0x1  }
0x50: {  	v3 =	vperm.xlane v3, v2;
	v4 =	vadd.s32 v1, v4;
	_ =	sdelay $0x1  }
0x51: {  	v3 =	vadd.s32 v1, v3;
	_ =	sdelay $0x2  }
0x52: {  	[tilespmem:s28], [sflag:$0x1] =	stream.indirect_vreg.gather [hbm4b:s2+s3], $0x80, v4, vm0, $0xb8;
	[tilespmem:$0x10200] =	vst v63  }
0x53: {  	_ = 	snop  }
0x54: {  	[tilespmem:s29], [sflag:$0x1] =	stream.indirect_vreg.gather [hbm4b:s2+s3], $0x80, v3, vm0, $0xb8;
	[tilespmem:$0x10200] =	vst v63  }
0x55: {  	v3 =	vld [tilespmem:$0x60];
	_ =	sdelay $0x4  }
0x56: {  	v38 =	vshll.u32 v3, $0x1  }
0x57: {  	v3 =	vand.u32 $0x7, v3;
	v4 =	vand.u32 $0xFFFFFFF0, v38  }
0x58: {  	v3 =	vor.u32 v3, v4  }
0x59: {  	v4 =	vperm.xlane v3, v0;
	_ =	sdelay $0x1  }
0x5a: {  	v3 =	vperm.xlane v3, v2;
	v4 =	vadd.s32 v1, v4;
	_ =	sdelay $0x1  }
0x5b: {  	v3 =	vadd.s32 v1, v3;
	_ =	sdelay $0x2  }
0x5c: {  	[tilespmem:s30], [sflag:$0x1] =	stream.indirect_vreg.gather [hbm4b:s2+s3], $0x80, v4, vm0, $0xb8;
	[tilespmem:$0x10200] =	vst v63  }
0x5d: {  	_ = 	snop  }
0x5e: {  	[tilespmem:s31], [sflag:$0x1] =	stream.indirect_vreg.gather [hbm4b:s2+s3], $0x80, v3, vm0, $0xb8;
	[tilespmem:$0x10200] =	vst v63  }
0x5f: {  	v3 =	vld [tilespmem:$0x70];
	_ =	sdelay $0x4  }
0x60: {  	v39 =	vshll.u32 v3, $0x1  }
0x61: {  	v3 =	vand.u32 $0x7, v3;
	v4 =	vand.u32 $0xFFFFFFF0, v39  }
0x62: {  	v3 =	vor.u32 v3, v4  }
0x63: {  	v4 =	vperm.xlane v3, v0;
	_ =	sdelay $0x1  }
0x64: {  	v3 =	vperm.xlane v3, v2;
	v4 =	vadd.s32 v1, v4;
	_ =	sdelay $0x1  }
0x65: {  	v3 =	vadd.s32 v1, v3;
	_ =	sdelay $0x2  }
0x66: {  	[tilespmem:s1], [sflag:$0x1] =	stream.indirect_vreg.gather [hbm4b:s2+s3], $0x80, v4, vm0, $0xb8;
	[tilespmem:$0x10200] =	vst v63  }
0x67: {  	s0 =	simm.s32 $0x7A00  }
0x68: {  	[tilespmem:s0], [sflag:$0x1] =	stream.indirect_vreg.gather [hbm4b:s2+s3], $0x80, v3, vm0, $0xb8;
	[tilespmem:$0x10200] =	vst v63  }
0x69: {  	v3 =	vld [tilespmem:$0x80];
	_ =	sdelay $0x4  }
0x6a: {  	v40 =	vshll.u32 v3, $0x1  }
0x6b: {  	v3 =	vand.u32 $0x7, v3;
	v4 =	vand.u32 $0xFFFFFFF0, v40  }
0x6c: {  	v3 =	vor.u32 v3, v4  }
0x6d: {  	v4 =	vperm.xlane v3, v0;
	_ =	sdelay $0x1  }
0x6e: {  	v3 =	vperm.xlane v3, v2;
	v4 =	vadd.s32 v1, v4;
	_ =	sdelay $0x1  }
0x6f: {  	v3 =	vadd.s32 v1, v3;
	_ =	sdelay $0x2  }
0x70: {  	[tilespmem:s12], [sflag:$0x2] =	stream.indirect_vreg.gather [hbm4b:s2+s3], $0x80, v4, vm0, $0xb8;
	[tilespmem:$0x10200] =	vst v63  }
0x71: {  	_ = 	snop  }
0x72: {  	[tilespmem:s7], [sflag:$0x2] =	stream.indirect_vreg.gather [hbm4b:s2+s3], $0x80, v3, vm0, $0xb8;
	[tilespmem:$0x10200] =	vst v63  }
0x73: {  	v3 =	vld [tilespmem:$0x90];
	_ =	sdelay $0x4  }
0x74: {  	v41 =	vshll.u32 v3, $0x1  }
0x75: {  	v3 =	vand.u32 $0x7, v3;
	v4 =	vand.u32 $0xFFFFFFF0, v41  }
0x76: {  	v3 =	vor.u32 v3, v4  }
0x77: {  	v4 =	vperm.xlane v3, v0;
	_ =	sdelay $0x1  }
0x78: {  	v3 =	vperm.xlane v3, v2;
	v4 =	vadd.s32 v1, v4;
	_ =	sdelay $0x1  }
0x79: {  	v3 =	vadd.s32 v1, v3;
	_ =	sdelay $0x2  }
0x7a: {  	[tilespmem:s8], [sflag:$0x2] =	stream.indirect_vreg.gather [hbm4b:s2+s3], $0x80, v4, vm0, $0xb8;
	[tilespmem:$0x10200] =	vst v63  }
0x7b: {  	_ = 	snop  }
0x7c: {  	[tilespmem:s9], [sflag:$0x2] =	stream.indirect_vreg.gather [hbm4b:s2+s3], $0x80, v3, vm0, $0xb8;
	[tilespmem:$0x10200] =	vst v63  }
0x7d: {  	v3 =	vld [tilespmem:$0xA0];
	_ =	sdelay $0x4  }
0x7e: {  	v42 =	vshll.u32 v3, $0x1  }
0x7f: {  	v3 =	vand.u32 $0x7, v3;
	v4 =	vand.u32 $0xFFFFFFF0, v42  }
0x80: {  	v3 =	vor.u32 v3, v4  }
0x81: {  	v4 =	vperm.xlane v3, v0;
	_ =	sdelay $0x1  }
0x82: {  	v3 =	vperm.xlane v3, v2;
	v4 =	vadd.s32 v1, v4;
	_ =	sdelay $0x1  }
0x83: {  	v3 =	vadd.s32 v1, v3;
	_ =	sdelay $0x2  }
0x84: {  	[tilespmem:s10], [sflag:$0x2] =	stream.indirect_vreg.gather [hbm4b:s2+s3], $0x80, v4, vm0, $0xb8;
	[tilespmem:$0x10200] =	vst v63  }
0x85: {  	_ = 	snop  }
0x86: {  	[tilespmem:s11], [sflag:$0x2] =	stream.indirect_vreg.gather [hbm4b:s2+s3], $0x80, v3, vm0, $0xb8;
	[tilespmem:$0x10200] =	vst v63  }
0x87: {  	v3 =	vld [tilespmem:$0xB0];
	_ =	sdelay $0x4  }
0x88: {  	v43 =	vshll.u32 v3, $0x1  }
0x89: {  	v3 =	vand.u32 $0x7, v3;
	v4 =	vand.u32 $0xFFFFFFF0, v43  }
0x8a: {  	v3 =	vor.u32 v3, v4  }
0x8b: {  	v4 =	vperm.xlane v3, v0;
	_ =	sdelay $0x1  }
0x8c: {  	v3 =	vperm.xlane v3, v2;
	v4 =	vadd.s32 v1, v4;
	_ =	sdelay $0x1  }
0x8d: {  	v3 =	vadd.s32 v1, v3;
	_ =	sdelay $0x1  }
0x8e: {  	s6 =	simm.s32 $0xB200  }
0x8f: {  	[tilespmem:s6], [sflag:$0x2] =	stream.indirect_vreg.gather [hbm4b:s2+s3], $0x80, v4, vm0, $0xb8;
	[tilespmem:$0x10200] =	vst v63  }
0x90: {  	s6 =	simm.s32 $0xBA00  }
0x91: {  	[tilespmem:s6], [sflag:$0x2] =	stream.indirect_vreg.gather [hbm4b:s2+s3], $0x80, v3, vm0, $0xb8;
	[tilespmem:$0x10200] =	vst v63  }
0x92: {  	v3 =	vld [tilespmem:$0xC0];
	_ =	sdelay $0x4  }
0x93: {  	v44 =	vshll.u32 v3, $0x1  }
0x94: {  	v3 =	vand.u32 $0x7, v3;
	v4 =	vand.u32 $0xFFFFFFF0, v44  }
0x95: {  	v3 =	vor.u32 v3, v4  }
0x96: {  	v4 =	vperm.xlane v3, v0;
	_ =	sdelay $0x1  }
0x97: {  	v3 =	vperm.xlane v3, v2;
	v4 =	vadd.s32 v1, v4;
	_ =	sdelay $0x1  }
0x98: {  	v3 =	vadd.s32 v1, v3;
	_ =	sdelay $0x1  }
0x99: {  	s22 =	simm.s32 $0xC200  }
0x9a: {  	[tilespmem:s22], [sflag:$0x2] =	stream.indirect_vreg.gather [hbm4b:s2+s3], $0x80, v4, vm0, $0xb8;
	[tilespmem:$0x10200] =	vst v63  }
0x9b: {  	s22 =	simm.s32 $0xCA00  }
0x9c: {  	[tilespmem:s22], [sflag:$0x2] =	stream.indirect_vreg.gather [hbm4b:s2+s3], $0x80, v3, vm0, $0xb8;
	[tilespmem:$0x10200] =	vst v63  }
0x9d: {  	v3 =	vld [tilespmem:$0xD0];
	_ =	sdelay $0x4  }
0x9e: {  	v45 =	vshll.u32 v3, $0x1  }
0x9f: {  	v3 =	vand.u32 $0x7, v3;
	v4 =	vand.u32 $0xFFFFFFF0, v45  }
0xa0: {  	v3 =	vor.u32 v3, v4  }
0xa1: {  	v4 =	vperm.xlane v3, v0;
	_ =	sdelay $0x1  }
0xa2: {  	v3 =	vperm.xlane v3, v2;
	v4 =	vadd.s32 v1, v4;
	_ =	sdelay $0x1  }
0xa3: {  	v3 =	vadd.s32 v1, v3;
	_ =	sdelay $0x1  }
0xa4: {  	s22 =	simm.s32 $0xD200  }
0xa5: {  	[tilespmem:s22], [sflag:$0x2] =	stream.indirect_vreg.gather [hbm4b:s2+s3], $0x80, v4, vm0, $0xb8;
	[tilespmem:$0x10200] =	vst v63  }
0xa6: {  	s22 =	simm.s32 $0xDA00  }
0xa7: {  	[tilespmem:s22], [sflag:$0x2] =	stream.indirect_vreg.gather [hbm4b:s2+s3], $0x80, v3, vm0, $0xb8;
	[tilespmem:$0x10200] =	vst v63  }
0xa8: {  	v3 =	vld [tilespmem:$0xE0];
	_ =	sdelay $0x4  }
0xa9: {  	v46 =	vshll.u32 v3, $0x1  }
0xaa: {  	v3 =	vand.u32 $0x7, v3;
	v4 =	vand.u32 $0xFFFFFFF0, v46  }
0xab: {  	v3 =	vor.u32 v3, v4  }
0xac: {  	v4 =	vperm.xlane v3, v0;
	_ =	sdelay $0x1  }
0xad: {  	v3 =	vperm.xlane v3, v2;
	v4 =	vadd.s32 v1, v4;
	_ =	sdelay $0x1  }
0xae: {  	v3 =	vadd.s32 v1, v3;
	_ =	sdelay $0x1  }
0xaf: {  	s22 =	simm.s32 $0xE200  }
0xb0: {  	[tilespmem:s22], [sflag:$0x2] =	stream.indirect_vreg.gather [hbm4b:s2+s3], $0x80, v4, vm0, $0xb8;
	[tilespmem:$0x10200] =	vst v63  }
0xb1: {  	s22 =	simm.s32 $0xEA00  }
0xb2: {  	[tilespmem:s22], [sflag:$0x2] =	stream.indirect_vreg.gather [hbm4b:s2+s3], $0x80, v3, vm0, $0xb8;
	[tilespmem:$0x10200] =	vst v63  }
0xb3: {  	v3 =	vld [tilespmem:$0xF0];
	_ =	sdelay $0x4  }
0xb4: {  	v47 =	vshll.u32 v3, $0x1  }
0xb5: {  	v3 =	vand.u32 $0x7, v3;
	v4 =	vand.u32 $0xFFFFFFF0, v47  }
0xb6: {  	v3 =	vor.u32 v3, v4  }
0xb7: {  	v4 =	vperm.xlane v3, v0;
	_ =	sdelay $0x1  }
0xb8: {  	v3 =	vperm.xlane v3, v2;
	v4 =	vadd.s32 v1, v4;
	_ =	sdelay $0x1  }
0xb9: {  	v3 =	vadd.s32 v1, v3;
	_ =	sdelay $0x1  }
0xba: {  	s22 =	simm.s32 $0xF200  }
0xbb: {  	[tilespmem:s22], [sflag:$0x2] =	stream.indirect_vreg.gather [hbm4b:s2+s3], $0x80, v4, vm0, $0xb8;
	[tilespmem:$0x10200] =	vst v63  }
0xbc: {  	s22 =	simm.s32 $0xFA00  }
0xbd: {  	[tilespmem:s22], [sflag:$0x2] =	stream.indirect_vreg.gather [hbm4b:s2+s3], $0x80, v3, vm0, $0xb8;
	[tilespmem:$0x10200] =	vst v63  }
0xbe: {  	_ =	swait.ge [sflag:s5], $0x8000  }
0xbf: {  	[sflag:s5] =	ssyncset.done $0x0  }
0xc0: {  	s22 =	simm.s32 $0x200;
	s16 =	rddreg [dreg:$0x4];
	[sflag:s5] =	ssyncadd.s32 $0xFFFF8000  }
0xc1: {  	[hbm4b:s16+s3] =	stream.linear.scatter [tilespmem:s22], [sflag:$0x3], $0x8000, $0x38;
	[tilespmem:$0x10200] =	vst v63  }
0xc2: {  	_ =	swait.ge [sflag:s13], $0x8000  }
0xc3: {  	[sflag:s13] =	ssyncset.done $0x0  }
0xc4: {  	[sflag:s13] =	ssyncadd.s32 $0xFFFF8000  }
0xc5: {  	v3 =	vld [tilespmem:$0x100];
	_ =	sdelay $0x4  }
0xc6: {  	v48 =	vshll.u32 v3, $0x1  }
0xc7: {  	v3 =	vand.u32 $0x7, v3;
	v4 =	vand.u32 $0xFFFFFFF0, v48  }
0xc8: {  	v3 =	vor.u32 v3, v4  }
0xc9: {  	v4 =	vperm.xlane v3, v0;
	_ =	sdelay $0x1  }
0xca: {  	v3 =	vperm.xlane v3, v2;
	v4 =	vadd.s32 v1, v4;
	_ =	sdelay $0x1  }
0xcb: {  	v3 =	vadd.s32 v1, v3;
	_ =	sdelay $0x2  }
0xcc: {  	[tilespmem:s22], [sflag:$0x1] =	stream.indirect_vreg.gather [hbm4b:s2+s3], $0x80, v4, vm0, $0xb8;
	[tilespmem:$0x10200] =	vst v63  }
0xcd: {  	_ = 	snop  }
0xce: {  	[tilespmem:s17], [sflag:$0x1] =	stream.indirect_vreg.gather [hbm4b:s2+s3], $0x80, v3, vm0, $0xb8;
	[tilespmem:$0x10200] =	vst v63  }
0xcf: {  	v3 =	vld [tilespmem:$0x110];
	_ =	sdelay $0x4  }
0xd0: {  	v49 =	vshll.u32 v3, $0x1  }
0xd1: {  	v3 =	vand.u32 $0x7, v3;
	v4 =	vand.u32 $0xFFFFFFF0, v49  }
0xd2: {  	v3 =	vor.u32 v3, v4  }
0xd3: {  	v4 =	vperm.xlane v3, v0;
	_ =	sdelay $0x1  }
0xd4: {  	v3 =	vperm.xlane v3, v2;
	v4 =	vadd.s32 v1, v4;
	_ =	sdelay $0x1  }
0xd5: {  	v3 =	vadd.s32 v1, v3;
	_ =	sdelay $0x2  }
0xd6: {  	[tilespmem:s18], [sflag:$0x1] =	stream.indirect_vreg.gather [hbm4b:s2+s3], $0x80, v4, vm0, $0xb8;
	[tilespmem:$0x10200] =	vst v63  }
0xd7: {  	_ = 	snop  }
0xd8: {  	[tilespmem:s19], [sflag:$0x1] =	stream.indirect_vreg.gather [hbm4b:s2+s3], $0x80, v3, vm0, $0xb8;
	[tilespmem:$0x10200] =	vst v63  }
0xd9: {  	v3 =	vld [tilespmem:$0x120];
	_ =	sdelay $0x4  }
0xda: {  	v50 =	vshll.u32 v3, $0x1  }
0xdb: {  	v3 =	vand.u32 $0x7, v3;
	v4 =	vand.u32 $0xFFFFFFF0, v50  }
0xdc: {  	v3 =	vor.u32 v3, v4  }
0xdd: {  	v4 =	vperm.xlane v3, v0;
	_ =	sdelay $0x1  }
0xde: {  	v3 =	vperm.xlane v3, v2;
	v4 =	vadd.s32 v1, v4;
	_ =	sdelay $0x1  }
0xdf: {  	v3 =	vadd.s32 v1, v3;
	_ =	sdelay $0x2  }
0xe0: {  	[tilespmem:s20], [sflag:$0x1] =	stream.indirect_vreg.gather [hbm4b:s2+s3], $0x80, v4, vm0, $0xb8;
	[tilespmem:$0x10200] =	vst v63  }
0xe1: {  	_ = 	snop  }
0xe2: {  	[tilespmem:s21], [sflag:$0x1] =	stream.indirect_vreg.gather [hbm4b:s2+s3], $0x80, v3, vm0, $0xb8;
	[tilespmem:$0x10200] =	vst v63  }
0xe3: {  	v3 =	vld [tilespmem:$0x130];
	_ =	sdelay $0x4  }
0xe4: {  	v51 =	vshll.u32 v3, $0x1  }
0xe5: {  	v3 =	vand.u32 $0x7, v3;
	v4 =	vand.u32 $0xFFFFFFF0, v51  }
0xe6: {  	v3 =	vor.u32 v3, v4  }
0xe7: {  	v4 =	vperm.xlane v3, v0;
	_ =	sdelay $0x1  }
0xe8: {  	v3 =	vperm.xlane v3, v2;
	v4 =	vadd.s32 v1, v4;
	_ =	sdelay $0x1  }
0xe9: {  	v3 =	vadd.s32 v1, v3;
	_ =	sdelay $0x2  }
0xea: {  	[tilespmem:s23], [sflag:$0x1] =	stream.indirect_vreg.gather [hbm4b:s2+s3], $0x80, v4, vm0, $0xb8;
	[tilespmem:$0x10200] =	vst v63  }
0xeb: {  	_ = 	snop  }
0xec: {  	[tilespmem:s24], [sflag:$0x1] =	stream.indirect_vreg.gather [hbm4b:s2+s3], $0x80, v3, vm0, $0xb8;
	[tilespmem:$0x10200] =	vst v63  }
0xed: {  	v3 =	vld [tilespmem:$0x140];
	_ =	sdelay $0x4  }
0xee: {  	v52 =	vshll.u32 v3, $0x1  }
0xef: {  	v3 =	vand.u32 $0x7, v3;
	v4 =	vand.u32 $0xFFFFFFF0, v52  }
0xf0: {  	v3 =	vor.u32 v3, v4  }
0xf1: {  	v4 =	vperm.xlane v3, v0;
	_ =	sdelay $0x1  }
0xf2: {  	v3 =	vperm.xlane v3, v2;
	v4 =	vadd.s32 v1, v4;
	_ =	sdelay $0x1  }
0xf3: {  	v3 =	vadd.s32 v1, v3;
	_ =	sdelay $0x2  }
0xf4: {  	[tilespmem:s25], [sflag:$0x1] =	stream.indirect_vreg.gather [hbm4b:s2+s3], $0x80, v4, vm0, $0xb8;
	[tilespmem:$0x10200] =	vst v63  }
0xf5: {  	_ = 	snop  }
0xf6: {  	[tilespmem:s26], [sflag:$0x1] =	stream.indirect_vreg.gather [hbm4b:s2+s3], $0x80, v3, vm0, $0xb8;
	[tilespmem:$0x10200] =	vst v63  }
0xf7: {  	v3 =	vld [tilespmem:$0x150];
	_ =	sdelay $0x4  }
0xf8: {  	v53 =	vshll.u32 v3, $0x1  }
0xf9: {  	v3 =	vand.u32 $0x7, v3;
	v4 =	vand.u32 $0xFFFFFFF0, v53  }
0xfa: {  	v3 =	vor.u32 v3, v4  }
0xfb: {  	v4 =	vperm.xlane v3, v0;
	_ =	sdelay $0x1  }
0xfc: {  	v3 =	vperm.xlane v3, v2;
	v4 =	vadd.s32 v1, v4;
	_ =	sdelay $0x1  }
0xfd: {  	v3 =	vadd.s32 v1, v3;
	_ =	sdelay $0x2  }
0xfe: {  	[tilespmem:s28], [sflag:$0x1] =	stream.indirect_vreg.gather [hbm4b:s2+s3], $0x80, v4, vm0, $0xb8;
	[tilespmem:$0x10200] =	vst v63  }
0xff: {  	_ = 	snop  }
0x100: {  	[tilespmem:s29], [sflag:$0x1] =	stream.indirect_vreg.gather [hbm4b:s2+s3], $0x80, v3, vm0, $0xb8;
	[tilespmem:$0x10200] =	vst v63  }
0x101: {  	v3 =	vld [tilespmem:$0x160];
	_ =	sdelay $0x4  }
0x102: {  	v54 =	vshll.u32 v3, $0x1  }
0x103: {  	v3 =	vand.u32 $0x7, v3;
	v4 =	vand.u32 $0xFFFFFFF0, v54  }
0x104: {  	v3 =	vor.u32 v3, v4  }
0x105: {  	v4 =	vperm.xlane v3, v0;
	_ =	sdelay $0x1  }
0x106: {  	v3 =	vperm.xlane v3, v2;
	v4 =	vadd.s32 v1, v4;
	_ =	sdelay $0x1  }
0x107: {  	v3 =	vadd.s32 v1, v3;
	_ =	sdelay $0x2  }
0x108: {  	[tilespmem:s30], [sflag:$0x1] =	stream.indirect_vreg.gather [hbm4b:s2+s3], $0x80, v4, vm0, $0xb8;
	[tilespmem:$0x10200] =	vst v63  }
0x109: {  	_ = 	snop  }
0x10a: {  	[tilespmem:s31], [sflag:$0x1] =	stream.indirect_vreg.gather [hbm4b:s2+s3], $0x80, v3, vm0, $0xb8;
	[tilespmem:$0x10200] =	vst v63  }
0x10b: {  	v3 =	vld [tilespmem:$0x170];
	_ =	sdelay $0x4  }
0x10c: {  	v55 =	vshll.u32 v3, $0x1  }
0x10d: {  	v3 =	vand.u32 $0x7, v3;
	v4 =	vand.u32 $0xFFFFFFF0, v55  }
0x10e: {  	v3 =	vor.u32 v3, v4  }
0x10f: {  	v4 =	vperm.xlane v3, v0;
	_ =	sdelay $0x1  }
0x110: {  	v3 =	vperm.xlane v3, v2;
	v4 =	vadd.s32 v1, v4;
	_ =	sdelay $0x1  }
0x111: {  	v3 =	vadd.s32 v1, v3;
	_ =	sdelay $0x2  }
0x112: {  	[tilespmem:s1], [sflag:$0x1] =	stream.indirect_vreg.gather [hbm4b:s2+s3], $0x80, v4, vm0, $0xb8;
	[tilespmem:$0x10200] =	vst v63  }
0x113: {  	_ = 	snop  }
0x114: {  	[tilespmem:s0], [sflag:$0x1] =	stream.indirect_vreg.gather [hbm4b:s2+s3], $0x80, v3, vm0, $0xb8;
	[tilespmem:$0x10200] =	vst v63  }
0x115: {  	_ =	swait.ge [sflag:s14], $0x8000  }
0x116: {  	[sflag:s14] =	ssyncset.done $0x0  }
0x117: {  	s0 =	rddreg [dreg:$0x5];
	[sflag:s14] =	ssyncadd.s32 $0xFFFF8000  }
0x118: {  	[hbm4b:s0+s3] =	stream.linear.scatter [tilespmem:s12], [sflag:$0x4], $0x8000, $0x38;
	[tilespmem:$0x10200] =	vst v63  }
0x119: {  	_ =	swait.ge [sflag:s15], $0x8000  }
0x11a: {  	[sflag:s15] =	ssyncset.done $0x0  }
0x11b: {  	[sflag:s15] =	ssyncadd.s32 $0xFFFF8000  }
0x11c: {  	v3 =	vld [tilespmem:$0x180];
	_ =	sdelay $0x4  }
0x11d: {  	v56 =	vshll.u32 v3, $0x1  }
0x11e: {  	v3 =	vand.u32 $0x7, v3;
	v4 =	vand.u32 $0xFFFFFFF0, v56  }
0x11f: {  	v3 =	vor.u32 v3, v4  }
0x120: {  	v4 =	vperm.xlane v3, v0;
	_ =	sdelay $0x1  }
0x121: {  	v3 =	vperm.xlane v3, v2;
	v4 =	vadd.s32 v1, v4;
	_ =	sdelay $0x1  }
0x122: {  	v3 =	vadd.s32 v1, v3;
	_ =	sdelay $0x2  }
0x123: {  	[tilespmem:s12], [sflag:$0x2] =	stream.indirect_vreg.gather [hbm4b:s2+s3], $0x80, v4, vm0, $0xb8;
	[tilespmem:$0x10200] =	vst v63  }
0x124: {  	_ = 	snop  }
0x125: {  	[tilespmem:s7], [sflag:$0x2] =	stream.indirect_vreg.gather [hbm4b:s2+s3], $0x80, v3, vm0, $0xb8;
	[tilespmem:$0x10200] =	vst v63  }
0x126: {  	v3 =	vld [tilespmem:$0x190];
	_ =	sdelay $0x4  }
0x127: {  	v57 =	vshll.u32 v3, $0x1  }
0x128: {  	v3 =	vand.u32 $0x7, v3;
	v4 =	vand.u32 $0xFFFFFFF0, v57  }
0x129: {  	v3 =	vor.u32 v3, v4  }
0x12a: {  	v4 =	vperm.xlane v3, v0;
	_ =	sdelay $0x1  }
0x12b: {  	v3 =	vperm.xlane v3, v2;
	v4 =	vadd.s32 v1, v4;
	_ =	sdelay $0x1  }
0x12c: {  	v3 =	vadd.s32 v1, v3;
	_ =	sdelay $0x2  }
0x12d: {  	[tilespmem:s8], [sflag:$0x2] =	stream.indirect_vreg.gather [hbm4b:s2+s3], $0x80, v4, vm0, $0xb8;
	[tilespmem:$0x10200] =	vst v63  }
0x12e: {  	_ = 	snop  }
0x12f: {  	[tilespmem:s9], [sflag:$0x2] =	stream.indirect_vreg.gather [hbm4b:s2+s3], $0x80, v3, vm0, $0xb8;
	[tilespmem:$0x10200] =	vst v63  }
0x130: {  	v3 =	vld [tilespmem:$0x1A0];
	_ =	sdelay $0x4  }
0x131: {  	v58 =	vshll.u32 v3, $0x1  }
0x132: {  	v3 =	vand.u32 $0x7, v3;
	v4 =	vand.u32 $0xFFFFFFF0, v58  }
0x133: {  	v3 =	vor.u32 v3, v4  }
0x134: {  	v4 =	vperm.xlane v3, v0;
	_ =	sdelay $0x1  }
0x135: {  	v3 =	vperm.xlane v3, v2;
	v4 =	vadd.s32 v1, v4;
	_ =	sdelay $0x1  }
0x136: {  	v3 =	vadd.s32 v1, v3;
	_ =	sdelay $0x2  }
0x137: {  	[tilespmem:s10], [sflag:$0x2] =	stream.indirect_vreg.gather [hbm4b:s2+s3], $0x80, v4, vm0, $0xb8;
	[tilespmem:$0x10200] =	vst v63  }
0x138: {  	_ = 	snop  }
0x139: {  	[tilespmem:s11], [sflag:$0x2] =	stream.indirect_vreg.gather [hbm4b:s2+s3], $0x80, v3, vm0, $0xb8;
	[tilespmem:$0x10200] =	vst v63  }
0x13a: {  	v3 =	vld [tilespmem:$0x1B0];
	_ =	sdelay $0x4  }
0x13b: {  	v59 =	vshll.u32 v3, $0x1  }
0x13c: {  	v3 =	vand.u32 $0x7, v3;
	v4 =	vand.u32 $0xFFFFFFF0, v59  }
0x13d: {  	v3 =	vor.u32 v3, v4  }
0x13e: {  	v4 =	vperm.xlane v3, v0;
	_ =	sdelay $0x1  }
0x13f: {  	v3 =	vperm.xlane v3, v2;
	v4 =	vadd.s32 v1, v4;
	_ =	sdelay $0x1  }
0x140: {  	v3 =	vadd.s32 v1, v3;
	_ =	sdelay $0x1  }
0x141: {  	s16 =	simm.s32 $0xB200  }
0x142: {  	[tilespmem:s16], [sflag:$0x2] =	stream.indirect_vreg.gather [hbm4b:s2+s3], $0x80, v4, vm0, $0xb8;
	[tilespmem:$0x10200] =	vst v63  }
0x143: {  	_ = 	snop  }
0x144: {  	[tilespmem:s6], [sflag:$0x2] =	stream.indirect_vreg.gather [hbm4b:s2+s3], $0x80, v3, vm0, $0xb8;
	[tilespmem:$0x10200] =	vst v63  }
0x145: {  	v3 =	vld [tilespmem:$0x1C0];
	_ =	sdelay $0x4  }
0x146: {  	v60 =	vshll.u32 v3, $0x1  }
0x147: {  	v3 =	vand.u32 $0x7, v3;
	v4 =	vand.u32 $0xFFFFFFF0, v60  }
0x148: {  	v3 =	vor.u32 v3, v4  }
0x149: {  	v4 =	vperm.xlane v3, v0;
	_ =	sdelay $0x1  }
0x14a: {  	v3 =	vperm.xlane v3, v2;
	v4 =	vadd.s32 v1, v4;
	_ =	sdelay $0x1  }
0x14b: {  	v3 =	vadd.s32 v1, v3;
	_ =	sdelay $0x1  }
0x14c: {  	s6 =	simm.s32 $0xC200  }
0x14d: {  	[tilespmem:s6], [sflag:$0x2] =	stream.indirect_vreg.gather [hbm4b:s2+s3], $0x80, v4, vm0, $0xb8;
	[tilespmem:$0x10200] =	vst v63  }
0x14e: {  	s16 =	simm.s32 $0xCA00  }
0x14f: {  	[tilespmem:s16], [sflag:$0x2] =	stream.indirect_vreg.gather [hbm4b:s2+s3], $0x80, v3, vm0, $0xb8;
	[tilespmem:$0x10200] =	vst v63  }
0x150: {  	v3 =	vld [tilespmem:$0x1D0];
	_ =	sdelay $0x4  }
0x151: {  	v61 =	vshll.u32 v3, $0x1  }
0x152: {  	v3 =	vand.u32 $0x7, v3;
	v4 =	vand.u32 $0xFFFFFFF0, v61  }
0x153: {  	v3 =	vor.u32 v3, v4  }
0x154: {  	v4 =	vperm.xlane v3, v0;
	_ =	sdelay $0x1  }
0x155: {  	v3 =	vperm.xlane v3, v2;
	v4 =	vadd.s32 v1, v4;
	_ =	sdelay $0x1  }
0x156: {  	v3 =	vadd.s32 v1, v3;
	_ =	sdelay $0x1  }
0x157: {  	s6 =	simm.s32 $0xD200  }
0x158: {  	[tilespmem:s6], [sflag:$0x2] =	stream.indirect_vreg.gather [hbm4b:s2+s3], $0x80, v4, vm0, $0xb8;
	[tilespmem:$0x10200] =	vst v63  }
0x159: {  	s16 =	simm.s32 $0xDA00  }
0x15a: {  	[tilespmem:s16], [sflag:$0x2] =	stream.indirect_vreg.gather [hbm4b:s2+s3], $0x80, v3, vm0, $0xb8;
	[tilespmem:$0x10200] =	vst v63  }
0x15b: {  	v3 =	vld [tilespmem:$0x1E0];
	_ =	sdelay $0x4  }
0x15c: {  	v62 =	vshll.u32 v3, $0x1  }
0x15d: {  	v3 =	vand.u32 $0x7, v3;
	v4 =	vand.u32 $0xFFFFFFF0, v62  }
0x15e: {  	v3 =	vor.u32 v3, v4  }
0x15f: {  	v4 =	vperm.xlane v3, v0;
	_ =	sdelay $0x1  }
0x160: {  	v3 =	vperm.xlane v3, v2;
	v4 =	vadd.s32 v1, v4;
	_ =	sdelay $0x1  }
0x161: {  	v3 =	vadd.s32 v1, v3;
	_ =	sdelay $0x1  }
0x162: {  	s6 =	simm.s32 $0xE200  }
0x163: {  	[tilespmem:s6], [sflag:$0x2] =	stream.indirect_vreg.gather [hbm4b:s2+s3], $0x80, v4, vm0, $0xb8;
	[tilespmem:$0x10200] =	vst v63  }
0x164: {  	s16 =	simm.s32 $0xEA00  }
0x165: {  	[tilespmem:s16], [sflag:$0x2] =	stream.indirect_vreg.gather [hbm4b:s2+s3], $0x80, v3, vm0, $0xb8;
	[tilespmem:$0x10200] =	vst v63  }
0x166: {  	v3 =	vld [tilespmem:$0x1F0];
	_ =	sdelay $0x4  }
0x167: {  	v63 =	vshll.u32 v3, $0x1  }
0x168: {  	v3 =	vand.u32 $0x7, v3;
	v4 =	vand.u32 $0xFFFFFFF0, v63  }
0x169: {  	v3 =	vor.u32 v3, v4  }
0x16a: {  	v4 =	vperm.xlane v3, v0;
	_ =	sdelay $0x1  }
0x16b: {  	v3 =	vperm.xlane v3, v2;
	v4 =	vadd.s32 v1, v4;
	_ =	sdelay $0x1  }
0x16c: {  	v3 =	vadd.s32 v1, v3;
	_ =	sdelay $0x1  }
0x16d: {  	s6 =	simm.s32 $0xF200  }
0x16e: {  	[tilespmem:s6], [sflag:$0x2] =	stream.indirect_vreg.gather [hbm4b:s2+s3], $0x80, v4, vm0, $0xb8;
	[tilespmem:$0x10200] =	vst v63  }
0x16f: {  	s16 =	simm.s32 $0xFA00  }
0x170: {  	[tilespmem:s16], [sflag:$0x2] =	stream.indirect_vreg.gather [hbm4b:s2+s3], $0x80, v3, vm0, $0xb8;
	[tilespmem:$0x10200] =	vst v63  }
0x171: {  	_ =	swait.ge [sflag:s5], $0x8000  }
0x172: {  	[sflag:s5] =	ssyncset.done $0x0  }
0x173: {  	s22 =	simm.s32 $0x200;
	s6 =	rddreg [dreg:$0x6];
	[sflag:s5] =	ssyncadd.s32 $0xFFFF8000  }
0x174: {  	[hbm4b:s6+s3] =	stream.linear.scatter [tilespmem:s22], [sflag:$0x3], $0x8000, $0x38;
	[tilespmem:$0x10200] =	vst v63  }
0x175: {  	_ =	swait.ge [sflag:s14], $0x8000  }
0x176: {  	[sflag:s14] =	ssyncset.done $0x0  }
0x177: {  	s22 =	rddreg [dreg:$0x7];
	[sflag:s14] =	ssyncadd.s32 $0xFFFF8000  }
0x178: {  	[hbm4b:s22+s3] =	stream.linear.scatter [tilespmem:s12], [sflag:$0x4], $0x8000, $0x38;
	[tilespmem:$0x10200] =	vst v63  }
0x179: {  	p0 =	sne.s32 s4, $0x1;
	_ =	swait.ge [sflag:s13], $0x8000  }
.Ltmp0:
0x17a: {  	[sflag:s13] =	ssyncset.done $0x0;
	(pc) =	sbr.rel @p0 .LBB2_1-.Ltmp0, $4  }
0x17b: {  	[sflag:s13] =	ssyncadd.s32 $0xFFFF8000  }
0x17c: {  	_ =	swait.ge [sflag:s15], $0x8000  }
0x17d: {  	[sflag:s15] =	ssyncset.done $0x0  }
0x17e: {  	s4 =	sadd.s32 $0xFFFFFFFF, s4;
	[sflag:s15] =	ssyncadd.s32 $0xFFFF8000  }
0x17f: {  	_ =	sfence.sel $0x180000  }
0x180: {  	[bflag:$0x0] =	sbarrier.arrive $0xFFFF  }
0x181: {  	_ =	strace $0x90000047  }
0x182: {  	s0 =	stileid.u32;
	[bflag:$0x2] =	sbarrier.arrive $0xFFFF  }
0x183: {  	p0 =	sne.s32 s0, $0x0;
	s0 =	rddreg [dreg:$0x2]  }
0x184: {  	s0 =	sadd.s32 @!p0 $0x100000, s0  }
0x185: {  	[sflag:s0] =	ssyncadd.tile.s32 @!p0 $0x1;
	_ =	shalt  }
.Lfunc_end2:
_tile_overlayer_lowered:
.L_overlay_start_2:
0x186: {  	(tag) =	ssettag $0x2  }
0x187: {  	s0 =	rddreg [dreg:$0x0];
	s2 =	stileid.u32  }
0x188: {  	s1 =	rddreg [dreg:$0x1];
	p0 =	sne.s32 s2, $0x0  }
0x189: {  	s3 =	rddreg [dreg:$0x2];
	[bflag:$0x3] =	sbarrier.arrive $0xFFFF;
	s2 =	simm.s32 @!p0 $0x1C05  }
0x18a: {  	[timem:s3], [sflag:s2] =	dma.local @!p0 [hbm:s0], s1  }
0x18b: {  	s0 =	simm.s32 @!p0 $0x5  }
0x18c: {  	_ =	swait.ge @!p0 [sflag:s0], s1  }
0x18d: {  	s1 =	ssub.s32 @!p0 $0x0, s1;
	[sflag:s0] =	ssyncset.done @!p0 $0x0  }
0x18e: {  	[sflag:s0] =	ssyncadd.s32 @!p0 s1  }
0x18f: {  	[bflag:$0x3] =	sbarrier.arrive $0xFFFF  }
0x190: {  	_ =	shalt  }

</sc_bundles>
